<compile_context>
chip_gen: v7x
topology: tpu7x:2x2x1
jax: 0.10.2.dev20260603
libtpu: 0.0.44.dev20260713+nightly
codegen_flags: <defaults>
</compile_context>

<pallas_src>
import functools

import jax
import jax.numpy as jnp
from jax import lax
from jax.experimental import pallas as pl
from jax.experimental.pallas import tpu as pltpu
from jax.experimental.pallas import tpu_sc as plsc

N = 2048
D = 768
E = 16
H = 768

TB = 256
NB = N // TB
P = NB + E - 1

CH = 256
NCH = N // CH

NBE = NB * E
P2 = 32



def _gate_body(x_ref, wg_ref, bg_ref, dest_ref, meta_ref, loss_ref, oh_ref):
    x = x_ref[...]
    wg = wg_ref[...]
    logits = lax.dot_general(x, wg, (((1,), (1,)), ((), ())),
                             preferred_element_type=jnp.float32)
    logits = logits + bg_ref[...]

    m = jnp.max(logits, axis=1, keepdims=True)
    ex = jnp.exp(logits - m)
    probs = ex / jnp.sum(ex, axis=1, keepdims=True)

    iota_e = lax.broadcasted_iota(jnp.int32, (N, E), 1)
    eid = jnp.min(jnp.where(logits == m, iota_e, E), axis=1, keepdims=True)
    onehot = (iota_e == eid).astype(jnp.float32)
    oh_ref[...] = onehot

    counts = jnp.sum(onehot, axis=0, keepdims=True)

    mean_prob = jnp.sum(probs, axis=0, keepdims=True) * (1.0 / N)
    loss = jnp.sum(mean_prob * counts) * (E / N)
    loss_ref[...] = loss.reshape(1, 1)

    tri_e = (lax.broadcasted_iota(jnp.int32, (E, E), 0)
             < lax.broadcasted_iota(jnp.int32, (E, E), 1)).astype(jnp.float32)
    offv = lax.dot_general(counts, tri_e, (((1,), (0,)), ((), ())),
                           preferred_element_type=jnp.float32)

    tri_c = (lax.broadcasted_iota(jnp.int32, (CH, CH), 1)
             <= lax.broadcasted_iota(jnp.int32, (CH, CH), 0)).astype(jnp.float32)

    def body(c, carry):
        oc = oh_ref[pl.ds(c * CH, CH), :]
        cc = lax.dot_general(tri_c, oc, (((1,), (0,)), ((), ())),
                             preferred_element_type=jnp.float32)
        cc = cc + carry
        rank = jnp.sum(cc * oc, axis=1, keepdims=True) - 1.0
        offm = jnp.sum(offv * oc, axis=1, keepdims=True)
        dest_ref[pl.ds(c * CH, CH)] = (rank + offm).astype(jnp.int32).reshape(CH)
        return carry + jnp.sum(oc, axis=0, keepdims=True)

    lax.fori_loop(0, NCH, body, jnp.zeros((1, E), jnp.float32))

    off_j = jnp.concatenate([offv] * NB, axis=1).astype(jnp.int32)
    cnt_j = jnp.concatenate([counts] * NB, axis=1).astype(jnp.int32)
    end_j = off_j + cnt_j
    jlane = lax.broadcasted_iota(jnp.int32, (1, NBE), 1)
    b_j = jlane // E
    e_j = jlane - b_j * E
    bstart = b_j * TB
    flag = (off_j < bstart + TB) & (end_j > bstart)
    flagf = flag.astype(jnp.float32)

    io0 = lax.broadcasted_iota(jnp.int32, (NBE, NBE), 0)
    io1 = lax.broadcasted_iota(jnp.int32, (NBE, NBE), 1)
    tri_j = (io0 <= io1).astype(jnp.float32)
    pos = lax.dot_general(flagf, tri_j, (((1,), (0,)), ((), ())),
                          preferred_element_type=jnp.float32)
    tri_blk = ((io0 <= io1) & (io0 // E == io1 // E)).astype(jnp.float32)
    wpos = lax.dot_general(flagf, tri_blk, (((1,), (0,)), ((), ())),
                           preferred_element_type=jnp.float32)
    ff_j = flagf * (wpos == 1.0)

    rs_j = jnp.clip(off_j - bstart, 0, TB).astype(jnp.float32)
    re_j = jnp.clip(end_j - bstart, 0, TB).astype(jnp.float32)

    vals = jnp.concatenate([
        b_j.astype(jnp.float32), e_j.astype(jnp.float32),
        rs_j, re_j, ff_j,
    ], axis=0)

    idx_p = (pos - 1.0).astype(jnp.int32)
    iop = lax.broadcasted_iota(jnp.int32, (P2, NBE), 0)
    sel = ((iop == idx_p) & flag).astype(jnp.float32)
    meta = lax.dot_general(vals, sel, (((1,), (1,)), ((), ())),
                           preferred_element_type=jnp.float32)
    valid_p = jnp.sum(sel, axis=1, keepdims=True).reshape(1, P2)
    pad = (1.0 - valid_p)
    wb_row = meta[0:1] + pad * (NB - 1)
    we_row = meta[1:2] + pad * (E - 1)

    meta = jnp.concatenate([wb_row, we_row, meta[2:5]], axis=0)
    meta_ref[...] = meta.astype(jnp.int32)


def _gate(x, wg, bg):
    return pl.pallas_call(
        _gate_body,
        out_shape=[
            jax.ShapeDtypeStruct((N,), jnp.int32),
            jax.ShapeDtypeStruct((5, P2), jnp.int32),
            jax.ShapeDtypeStruct((1, 1), jnp.float32),
        ],
        scratch_shapes=[pltpu.VMEM((N, E), jnp.float32)],
    )(x, wg, bg.reshape(1, E))



@functools.cache
def _sc_info():
    sc = plsc.get_sparse_core_info()
    nw = sc.num_cores * sc.num_subcores
    return sc.num_cores, nw, N // nw


def _sc_scatter_rows(rows, idx):
    _NC, _NW, _BPW = _sc_info()
    hw = _BPW // 2
    mesh = plsc.VectorSubcoreMesh(core_axis_name="c", subcore_axis_name="s")

    @functools.partial(
        pl.kernel, mesh=mesh,
        out_type=jax.ShapeDtypeStruct((N, D), jnp.float32),
        scratch_types=[
            pltpu.VMEM((hw,), jnp.int32),
            pltpu.VMEM((hw,), jnp.int32),
            pltpu.VMEM((_BPW, D), jnp.float32),
            pltpu.SemaphoreType.DMA,
            pltpu.SemaphoreType.DMA,
            pltpu.SemaphoreType.DMA,
        ],
    )
    def k(rows_hbm, idx_hbm, out_hbm, idx0, idx1, rows_v, s0, s1, s2):
        wid = lax.axis_index("s") * _NC + lax.axis_index("c")
        base = wid * _BPW
        pltpu.sync_copy(idx_hbm.at[pl.ds(base, hw)], idx0)
        pltpu.sync_copy(idx_hbm.at[pl.ds(base + hw, hw)], idx1)
        ld0 = pltpu.async_copy(rows_hbm.at[pl.ds(base, hw)],
                               rows_v.at[pl.ds(0, hw)], s0)
        ld1 = pltpu.async_copy(rows_hbm.at[pl.ds(base + hw, hw)],
                               rows_v.at[pl.ds(hw, hw)], s1)
        ld0.wait()
        st0 = pltpu.async_copy(rows_v.at[pl.ds(0, hw)], out_hbm.at[idx0], s2)
        ld1.wait()
        st1 = pltpu.async_copy(rows_v.at[pl.ds(hw, hw)], out_hbm.at[idx1], s0)
        st0.wait()
        st1.wait()

    return k(rows, idx)


def _sc_gather_rows(table, idx):
    _NC, _NW, _BPW = _sc_info()
    hw = _BPW // 2
    mesh = plsc.VectorSubcoreMesh(core_axis_name="c", subcore_axis_name="s")

    @functools.partial(
        pl.kernel, mesh=mesh,
        out_type=jax.ShapeDtypeStruct((N, D), jnp.float32),
        scratch_types=[
            pltpu.VMEM((hw,), jnp.int32),
            pltpu.VMEM((hw,), jnp.int32),
            pltpu.VMEM((_BPW, D), jnp.float32),
            pltpu.SemaphoreType.DMA,
            pltpu.SemaphoreType.DMA,
            pltpu.SemaphoreType.DMA,
        ],
    )
    def k(table_hbm, idx_hbm, out_hbm, idx0, idx1, rows_v, s0, s1, s2):
        wid = lax.axis_index("s") * _NC + lax.axis_index("c")
        base = wid * _BPW
        pltpu.sync_copy(idx_hbm.at[pl.ds(base, hw)], idx0)
        pltpu.sync_copy(idx_hbm.at[pl.ds(base + hw, hw)], idx1)
        g0 = pltpu.async_copy(table_hbm.at[idx0], rows_v.at[pl.ds(0, hw)], s0)
        g1 = pltpu.async_copy(table_hbm.at[idx1], rows_v.at[pl.ds(hw, hw)], s1)
        g0.wait()
        st0 = pltpu.async_copy(rows_v.at[pl.ds(0, hw)],
                               out_hbm.at[pl.ds(base, hw)], s2)
        g1.wait()
        st1 = pltpu.async_copy(rows_v.at[pl.ds(hw, hw)],
                               out_hbm.at[pl.ds(base + hw, hw)], s0)
        st0.wait()
        st1.wait()

    return k(table, idx)



_SQRT1_2 = 0.7071067811865476


def _ffn_body(meta_ref, x_ref, w1_ref, b1_ref, w2_ref, b2_ref, out_ref):
    w = pl.program_id(0)
    x = x_ref[...].astype(jnp.bfloat16)
    w1 = w1_ref[0].astype(jnp.bfloat16)
    h = lax.dot_general(x, w1, (((1,), (1,)), ((), ())),
                        preferred_element_type=jnp.float32)
    h = h + b1_ref[0]
    h = 0.5 * h * (1.0 + lax.erf(h * _SQRT1_2))
    w2 = w2_ref[0].astype(jnp.bfloat16)
    y = lax.dot_general(h.astype(jnp.bfloat16), w2, (((1,), (1,)), ((), ())),
                        preferred_element_type=jnp.float32)
    y = y + b2_ref[0]

    rows = lax.broadcasted_iota(jnp.int32, (TB, 1), 0)
    mask = (rows >= meta_ref[2, w]) & (rows < meta_ref[3, w])
    y = jnp.where(mask, y, 0.0)

    @pl.when(meta_ref[4, w] == 1)
    def _init():
        out_ref[...] = y

    @pl.when(meta_ref[4, w] == 0)
    def _acc():
        out_ref[...] += y


def _ffn(x_sorted, w1, b1, w2, b2, meta):
    grid_spec = pltpu.PrefetchScalarGridSpec(
        num_scalar_prefetch=1,
        grid=(P,),
        in_specs=[
            pl.BlockSpec((TB, D), lambda w, meta: (meta[0, w], 0)),
            pl.BlockSpec((1, H, D), lambda w, meta: (meta[1, w], 0, 0)),
            pl.BlockSpec((1, 1, H), lambda w, meta: (meta[1, w], 0, 0)),
            pl.BlockSpec((1, D, H), lambda w, meta: (meta[1, w], 0, 0)),
            pl.BlockSpec((1, 1, D), lambda w, meta: (meta[1, w], 0, 0)),
        ],
        out_specs=pl.BlockSpec((TB, D), lambda w, meta: (meta[0, w], 0)),
    )
    return pl.pallas_call(
        _ffn_body,
        grid_spec=grid_spec,
        out_shape=jax.ShapeDtypeStruct((N, D), jnp.float32),
    )(meta, x_sorted, w1,
      b1.reshape(E, 1, H), w2, b2.reshape(E, 1, D))



def kernel(inputs, Wg, bg, W1, b1, W2, b2):
    b, t, d = inputs.shape
    x = inputs.reshape(N, D)

    dest, meta, loss2d = _gate(x, Wg, bg)

    x_sorted = _sc_scatter_rows(x, dest)
    y_sorted = _ffn(x_sorted, W1, b1, W2, b2, meta)
    out = _sc_gather_rows(y_sorted, dest)

    return out.reshape(b, t, d), loss2d.reshape(())

# --- scband reference (transcript-rebuilt; emitter-appended) ---
"""Pipeline reference for scband-mo-elayer-56599079027008 (READ-ONLY COPY).

The authoritative reference and input builder live on the scoring server;
editing this copy changes nothing except your own understanding.
"""

import jax, jax.numpy as jnp
import numpy as np

B, T, D = 1, 2048, 768
E, K, H = 16, 1, 768

def setup_inputs(seed: int = 0) -> dict:
    key = jax.random.key(seed)
    ks = jax.random.split(key, 7)
    inputs = jax.random.normal(ks[0], (B, T, D), dtype=jnp.float32)
    Wg = jax.random.normal(ks[1], (E, D), dtype=jnp.float32) * 0.02
    bg = jnp.zeros((E,), dtype=jnp.float32)
    W1 = jax.random.normal(ks[2], (E, H, D), dtype=jnp.float32) * 0.02
    b1 = jnp.zeros((E, H), dtype=jnp.float32)
    W2 = jax.random.normal(ks[3], (E, D, H), dtype=jnp.float32) * 0.02
    b2 = jnp.zeros((E, D), dtype=jnp.float32)
    return {"inputs": inputs, "Wg": Wg, "bg": bg, "W1": W1, "b1": b1, "W2": W2, "b2": b2}

def reference(inputs, Wg, bg, W1, b1, W2, b2):
    b, t, d = inputs.shape
    x = inputs.reshape(-1, d)
    n = x.shape[0]
    num_experts = Wg.shape[0]
    # gate
    logits = x @ Wg.T + bg
    all_probs = jax.nn.softmax(logits, axis=-1)
    topk_logits, topk_idx = jax.lax.top_k(logits, K)
    topk_gates = jax.nn.softmax(topk_logits, axis=-1)
    # dense dispatch masks (scatter_add over expert axis)
    one_hot = jax.nn.one_hot(topk_idx, num_experts, dtype=x.dtype)  # [N, K, E]
    dispatch_mask = one_hot.sum(axis=1)                              # [N, E]
    gate_mask = (one_hot * topk_gates[..., None]).sum(axis=1)        # [N, E]
    # experts: two-layer FFN with exact GELU (torch nn.GELU default)
    h = jnp.einsum('nd,ehd->neh', x, W1) + b1[None, :, :]
    h = jax.nn.gelu(h, approximate=False)
    out_e = jnp.einsum('neh,edh->ned', h, W2) + b2[None, :, :]
    # tokens with zero gate contribute nothing, matching masked dispatch
    expert_outputs = (out_e * gate_mask[:, :, None]).sum(axis=1)     # [N, D]
    outputs = expert_outputs.reshape(b, t, d)
    assignment_fraction = gate_mask.sum(axis=0) / n
    expected_prob = all_probs.mean(axis=0)
    load_balance_loss = (expected_prob * assignment_fraction).sum() * num_experts
    return outputs, load_balance_loss

if __name__ == "__main__":
    import jax
    _d = setup_inputs()
    print(jax.jit(kernel)(*tuple(_d.values())))

</pallas_src>

<mosaic_0001>
#map = affine_map<(d0, d1) -> (0, 0)>
#map1 = affine_map<(d0, d1) -> (0)>
module attributes {stable_mosaic.version = 14 : i64} {
  func.func @k(%arg0: i32, %arg1: i32, %arg2: memref<2048x768xf32, #tpu.memory_space<hbm>>, %arg3: memref<2048xi32, #tpu.memory_space<hbm>>, %arg4: memref<2048x768xf32, #tpu.memory_space<hbm>>, %arg5: memref<32xi32, #tpu.memory_space<vmem>>, %arg6: memref<32xi32, #tpu.memory_space<vmem>>, %arg7: memref<64x768xf32, #tpu.memory_space<vmem>>, %arg8: memref<!tpu.dma_semaphore, #tpu.memory_space<semaphore_mem>>, %arg9: memref<!tpu.dma_semaphore, #tpu.memory_space<semaphore_mem>>, %arg10: memref<!tpu.dma_semaphore, #tpu.memory_space<semaphore_mem>>) attributes {dimension_semantics = [#tpu.dimension_semantics<core_parallel>, #tpu.dimension_semantics<subcore_parallel>], iteration_bounds = array<i64: 2, 16>, scalar_prefetch = 0 : i64, scratch_operands = 6 : i64, tpu.core_type = #tpu.core_type<sc_vector_subcore>, window_params = [{transform_indices = #map}, {transform_indices = #map1}, {transform_indices = #map}]} {
    %mul3A = arith.constant 2 : i32
    %mul3A_0 = arith.muli %arg1, %mul3A : i32
    %add3A = arith.addi %mul3A_0, %arg0 : i32
    %mul3A_1 = arith.constant 64 : i32
    %mul3A_2 = arith.muli %add3A, %mul3A_1 : i32
    "tpu.region"() ({
      %run_scoped3A = tpu.sem_alloc : memref<!tpu.dma_semaphore, #tpu.memory_space<semaphore_mem>>
      %dma_start3A_69 = tpu.memref_slice %arg3[%mul3A_2] : memref<2048xi32, #tpu.memory_space<hbm>> -> memref<32xi32, #tpu.memory_space<hbm>>
      %dma_start3A_70 = tpu.memref_slice %arg3[%mul3A_2] : memref<2048xi32, #tpu.memory_space<hbm>> -> memref<32xi32, #tpu.memory_space<hbm>>
      tpu.enqueue_dma source(%dma_start3A_70 : memref<32xi32, #tpu.memory_space<hbm>>) target(%arg5 : memref<32xi32, #tpu.memory_space<vmem>>) target_semaphore(%run_scoped3A : memref<!tpu.dma_semaphore, #tpu.memory_space<semaphore_mem>>)
      %dma_wait3A_71 = tpu.memref_slice %arg3[%mul3A_2] : memref<2048xi32, #tpu.memory_space<hbm>> -> memref<32xi32, #tpu.memory_space<hbm>>
      %dma_wait3A_72 = tpu.memref_slice %arg3[%mul3A_2] : memref<2048xi32, #tpu.memory_space<hbm>> -> memref<32xi32, #tpu.memory_space<hbm>>
      tpu.wait_dma2 semaphore(%run_scoped3A : memref<!tpu.dma_semaphore, #tpu.memory_space<semaphore_mem>>) src(%dma_wait3A_72 : memref<32xi32, #tpu.memory_space<hbm>>) dst(%arg5 : memref<32xi32, #tpu.memory_space<vmem>>)
      tpu.yield
    }) : () -> ()
    %add3A_3 = arith.constant 32 : i32
    %add3A_4 = arith.addi %mul3A_2, %add3A_3 : i32
    "tpu.region"() ({
      %run_scoped3A = tpu.sem_alloc : memref<!tpu.dma_semaphore, #tpu.memory_space<semaphore_mem>>
      %dma_start3A_69 = tpu.memref_slice %arg3[%add3A_4] : memref<2048xi32, #tpu.memory_space<hbm>> -> memref<32xi32, #tpu.memory_space<hbm>>
      %dma_start3A_70 = tpu.memref_slice %arg3[%add3A_4] : memref<2048xi32, #tpu.memory_space<hbm>> -> memref<32xi32, #tpu.memory_space<hbm>>
      tpu.enqueue_dma source(%dma_start3A_70 : memref<32xi32, #tpu.memory_space<hbm>>) target(%arg6 : memref<32xi32, #tpu.memory_space<vmem>>) target_semaphore(%run_scoped3A : memref<!tpu.dma_semaphore, #tpu.memory_space<semaphore_mem>>)
      %dma_wait3A_71 = tpu.memref_slice %arg3[%add3A_4] : memref<2048xi32, #tpu.memory_space<hbm>> -> memref<32xi32, #tpu.memory_space<hbm>>
      %dma_wait3A_72 = tpu.memref_slice %arg3[%add3A_4] : memref<2048xi32, #tpu.memory_space<hbm>> -> memref<32xi32, #tpu.memory_space<hbm>>
      tpu.wait_dma2 semaphore(%run_scoped3A : memref<!tpu.dma_semaphore, #tpu.memory_space<semaphore_mem>>) src(%dma_wait3A_72 : memref<32xi32, #tpu.memory_space<hbm>>) dst(%arg6 : memref<32xi32, #tpu.memory_space<vmem>>)
      tpu.yield
    }) : () -> ()
    %dma_start3A = arith.constant 0 : i32
    %dma_start3A_5 = arith.constant 0 : i32
    %dma_start3A_6 = tpu.memref_slice %arg7[%dma_start3A, %dma_start3A_5] : memref<64x768xf32, #tpu.memory_space<vmem>> -> memref<32x768xf32, #tpu.memory_space<vmem>>
    %dma_start3A_7 = arith.constant 0 : i32
    %dma_start3A_8 = arith.constant 0 : i32
    %dma_start3A_9 = tpu.memref_slice %arg2[%dma_start3A_7, %dma_start3A_8] : memref<2048x768xf32, #tpu.memory_space<hbm>> -> memref<2048x768xf32, #tpu.memory_space<hbm>>
    tpu.enqueue_indirect_dma source(%dma_start3A_9 : memref<2048x768xf32, #tpu.memory_space<hbm>>) target(%dma_start3A_6 : memref<32x768xf32, #tpu.memory_space<vmem>>) offsets(%arg5 : memref<32xi32, #tpu.memory_space<vmem>>) semaphore(%arg8 : memref<!tpu.dma_semaphore, #tpu.memory_space<semaphore_mem>>)
    %dma_start3A_10 = arith.constant 32 : i32
    %dma_start3A_11 = arith.constant 0 : i32
    %dma_start3A_12 = tpu.memref_slice %arg7[%dma_start3A_10, %dma_start3A_11] : memref<64x768xf32, #tpu.memory_space<vmem>> -> memref<32x768xf32, #tpu.memory_space<vmem>>
    %dma_start3A_13 = arith.constant 0 : i32
    %dma_start3A_14 = arith.constant 0 : i32
    %dma_start3A_15 = tpu.memref_slice %arg2[%dma_start3A_13, %dma_start3A_14] : memref<2048x768xf32, #tpu.memory_space<hbm>> -> memref<2048x768xf32, #tpu.memory_space<hbm>>
    tpu.enqueue_indirect_dma source(%dma_start3A_15 : memref<2048x768xf32, #tpu.memory_space<hbm>>) target(%dma_start3A_12 : memref<32x768xf32, #tpu.memory_space<vmem>>) offsets(%arg6 : memref<32xi32, #tpu.memory_space<vmem>>) semaphore(%arg9 : memref<!tpu.dma_semaphore, #tpu.memory_space<semaphore_mem>>)
    %dma_wait3A = arith.constant 0 : i32
    %dma_wait3A_16 = arith.constant 0 : i32
    %dma_wait3A_17 = tpu.memref_slice %arg7[%dma_wait3A, %dma_wait3A_16] : memref<64x768xf32, #tpu.memory_space<vmem>> -> memref<32x768xf32, #tpu.memory_space<vmem>>
    %dma_wait3A_18 = arith.constant 0 : i32
    %dma_wait3A_19 = arith.constant 0 : i32
    %dma_wait3A_20 = tpu.memref_slice %arg2[%dma_wait3A_18, %dma_wait3A_19] : memref<2048x768xf32, #tpu.memory_space<hbm>> -> memref<2048x768xf32, #tpu.memory_space<hbm>>
    tpu.wait_indirect_dma semaphore(%arg8 : memref<!tpu.dma_semaphore, #tpu.memory_space<semaphore_mem>>) src(%dma_wait3A_20 : memref<2048x768xf32, #tpu.memory_space<hbm>>) dst(%dma_wait3A_17 : memref<32x768xf32, #tpu.memory_space<vmem>>)
    %dma_start3A_21 = arith.constant 0 : i32
    %dma_start3A_22 = arith.constant 0 : i32
    %dma_start3A_23 = tpu.memref_slice %arg7[%dma_start3A_21, %dma_start3A_22] : memref<64x768xf32, #tpu.memory_space<vmem>> -> memref<32x768xf32, #tpu.memory_space<vmem>>
    %dma_start3A_24 = arith.constant 0 : i32
    %dma_start3A_25 = tpu.memref_slice %arg4[%mul3A_2, %dma_start3A_24] : memref<2048x768xf32, #tpu.memory_space<hbm>> -> memref<32x768xf32, #tpu.memory_space<hbm>>
    %dma_start3A_26 = arith.constant 0 : i32
    %dma_start3A_27 = tpu.memref_slice %arg4[%mul3A_2, %dma_start3A_26] : memref<2048x768xf32, #tpu.memory_space<hbm>> -> memref<32x768xf32, #tpu.memory_space<hbm>>
    %dma_start3A_28 = arith.constant 0 : i32
    %dma_start3A_29 = arith.constant 0 : i32
    %dma_start3A_30 = tpu.memref_slice %arg7[%dma_start3A_28, %dma_start3A_29] : memref<64x768xf32, #tpu.memory_space<vmem>> -> memref<32x768xf32, #tpu.memory_space<vmem>>
    tpu.enqueue_dma source(%dma_start3A_30 : memref<32x768xf32, #tpu.memory_space<vmem>>) target(%dma_start3A_27 : memref<32x768xf32, #tpu.memory_space<hbm>>) target_semaphore(%arg10 : memref<!tpu.dma_semaphore, #tpu.memory_space<semaphore_mem>>)
    %dma_wait3A_31 = arith.constant 32 : i32
    %dma_wait3A_32 = arith.constant 0 : i32
    %dma_wait3A_33 = tpu.memref_slice %arg7[%dma_wait3A_31, %dma_wait3A_32] : memref<64x768xf32, #tpu.memory_space<vmem>> -> memref<32x768xf32, #tpu.memory_space<vmem>>
    %dma_wait3A_34 = arith.constant 0 : i32
    %dma_wait3A_35 = arith.constant 0 : i32
    %dma_wait3A_36 = tpu.memref_slice %arg2[%dma_wait3A_34, %dma_wait3A_35] : memref<2048x768xf32, #tpu.memory_space<hbm>> -> memref<2048x768xf32, #tpu.memory_space<hbm>>
    tpu.wait_indirect_dma semaphore(%arg9 : memref<!tpu.dma_semaphore, #tpu.memory_space<semaphore_mem>>) src(%dma_wait3A_36 : memref<2048x768xf32, #tpu.memory_space<hbm>>) dst(%dma_wait3A_33 : memref<32x768xf32, #tpu.memory_space<vmem>>)
    %add3A_37 = arith.constant 32 : i32
    %add3A_38 = arith.addi %mul3A_2, %add3A_37 : i32
    %dma_start3A_39 = arith.constant 32 : i32
    %dma_start3A_40 = arith.constant 0 : i32
    %dma_start3A_41 = tpu.memref_slice %arg7[%dma_start3A_39, %dma_start3A_40] : memref<64x768xf32, #tpu.memory_space<vmem>> -> memref<32x768xf32, #tpu.memory_space<vmem>>
    %dma_start3A_42 = arith.constant 0 : i32
    %dma_start3A_43 = tpu.memref_slice %arg4[%add3A_38, %dma_start3A_42] : memref<2048x768xf32, #tpu.memory_space<hbm>> -> memref<32x768xf32, #tpu.memory_space<hbm>>
    %dma_start3A_44 = arith.constant 0 : i32
    %dma_start3A_45 = tpu.memref_slice %arg4[%add3A_38, %dma_start3A_44] : memref<2048x768xf32, #tpu.memory_space<hbm>> -> memref<32x768xf32, #tpu.memory_space<hbm>>
    %dma_start3A_46 = arith.constant 32 : i32
    %dma_start3A_47 = arith.constant 0 : i32
    %dma_start3A_48 = tpu.memref_slice %arg7[%dma_start3A_46, %dma_start3A_47] : memref<64x768xf32, #tpu.memory_space<vmem>> -> memref<32x768xf32, #tpu.memory_space<vmem>>
    tpu.enqueue_dma source(%dma_start3A_48 : memref<32x768xf32, #tpu.memory_space<vmem>>) target(%dma_start3A_45 : memref<32x768xf32, #tpu.memory_space<hbm>>) target_semaphore(%arg8 : memref<!tpu.dma_semaphore, #tpu.memory_space<semaphore_mem>>)
    %dma_wait3A_49 = arith.constant 0 : i32
    %dma_wait3A_50 = arith.constant 0 : i32
    %dma_wait3A_51 = tpu.memref_slice %arg7[%dma_wait3A_49, %dma_wait3A_50] : memref<64x768xf32, #tpu.memory_space<vmem>> -> memref<32x768xf32, #tpu.memory_space<vmem>>
    %dma_wait3A_52 = arith.constant 0 : i32
    %dma_wait3A_53 = tpu.memref_slice %arg4[%mul3A_2, %dma_wait3A_52] : memref<2048x768xf32, #tpu.memory_space<hbm>> -> memref<32x768xf32, #tpu.memory_space<hbm>>
    %dma_wait3A_54 = arith.constant 0 : i32
    %dma_wait3A_55 = tpu.memref_slice %arg4[%mul3A_2, %dma_wait3A_54] : memref<2048x768xf32, #tpu.memory_space<hbm>> -> memref<32x768xf32, #tpu.memory_space<hbm>>
    %dma_wait3A_56 = arith.constant 0 : i32
    %dma_wait3A_57 = arith.constant 0 : i32
    %dma_wait3A_58 = tpu.memref_slice %arg7[%dma_wait3A_56, %dma_wait3A_57] : memref<64x768xf32, #tpu.memory_space<vmem>> -> memref<32x768xf32, #tpu.memory_space<vmem>>
    tpu.wait_dma2 semaphore(%arg10 : memref<!tpu.dma_semaphore, #tpu.memory_space<semaphore_mem>>) src(%dma_wait3A_58 : memref<32x768xf32, #tpu.memory_space<vmem>>) dst(%dma_wait3A_55 : memref<32x768xf32, #tpu.memory_space<hbm>>)
    %dma_wait3A_59 = arith.constant 32 : i32
    %dma_wait3A_60 = arith.constant 0 : i32
    %dma_wait3A_61 = tpu.memref_slice %arg7[%dma_wait3A_59, %dma_wait3A_60] : memref<64x768xf32, #tpu.memory_space<vmem>> -> memref<32x768xf32, #tpu.memory_space<vmem>>
    %dma_wait3A_62 = arith.constant 0 : i32
    %dma_wait3A_63 = tpu.memref_slice %arg4[%add3A_38, %dma_wait3A_62] : memref<2048x768xf32, #tpu.memory_space<hbm>> -> memref<32x768xf32, #tpu.memory_space<hbm>>
    %dma_wait3A_64 = arith.constant 0 : i32
    %dma_wait3A_65 = tpu.memref_slice %arg4[%add3A_38, %dma_wait3A_64] : memref<2048x768xf32, #tpu.memory_space<hbm>> -> memref<32x768xf32, #tpu.memory_space<hbm>>
    %dma_wait3A_66 = arith.constant 32 : i32
    %dma_wait3A_67 = arith.constant 0 : i32
    %dma_wait3A_68 = tpu.memref_slice %arg7[%dma_wait3A_66, %dma_wait3A_67] : memref<64x768xf32, #tpu.memory_space<vmem>> -> memref<32x768xf32, #tpu.memory_space<vmem>>
    tpu.wait_dma2 semaphore(%arg8 : memref<!tpu.dma_semaphore, #tpu.memory_space<semaphore_mem>>) src(%dma_wait3A_68 : memref<32x768xf32, #tpu.memory_space<vmem>>) dst(%dma_wait3A_65 : memref<32x768xf32, #tpu.memory_space<hbm>>)
    return
  }
}

#map = affine_map<(d0, d1) -> (0, 0)>
#map1 = affine_map<(d0, d1) -> (0)>
module attributes {stable_mosaic.version = 14 : i64} {
  func.func @k(%arg0: i32, %arg1: i32, %arg2: memref<2048x768xf32, #tpu.memory_space<hbm>>, %arg3: memref<2048xi32, #tpu.memory_space<hbm>>, %arg4: memref<2048x768xf32, #tpu.memory_space<hbm>>, %arg5: memref<32xi32, #tpu.memory_space<vmem>>, %arg6: memref<32xi32, #tpu.memory_space<vmem>>, %arg7: memref<64x768xf32, #tpu.memory_space<vmem>>, %arg8: memref<!tpu.dma_semaphore, #tpu.memory_space<semaphore_mem>>, %arg9: memref<!tpu.dma_semaphore, #tpu.memory_space<semaphore_mem>>, %arg10: memref<!tpu.dma_semaphore, #tpu.memory_space<semaphore_mem>>) attributes {dimension_semantics = [#tpu.dimension_semantics<core_parallel>, #tpu.dimension_semantics<subcore_parallel>], iteration_bounds = array<i64: 2, 16>, scalar_prefetch = 0 : i64, scratch_operands = 6 : i64, tpu.core_type = #tpu.core_type<sc_vector_subcore>, window_params = [{transform_indices = #map}, {transform_indices = #map1}, {transform_indices = #map}]} {
    %mul3A = arith.constant 2 : i32
    %mul3A_0 = arith.muli %arg1, %mul3A : i32
    %add3A = arith.addi %mul3A_0, %arg0 : i32
    %mul3A_1 = arith.constant 64 : i32
    %mul3A_2 = arith.muli %add3A, %mul3A_1 : i32
    "tpu.region"() ({
      %run_scoped3A = tpu.sem_alloc : memref<!tpu.dma_semaphore, #tpu.memory_space<semaphore_mem>>
      %dma_start3A_69 = tpu.memref_slice %arg3[%mul3A_2] : memref<2048xi32, #tpu.memory_space<hbm>> -> memref<32xi32, #tpu.memory_space<hbm>>
      %dma_start3A_70 = tpu.memref_slice %arg3[%mul3A_2] : memref<2048xi32, #tpu.memory_space<hbm>> -> memref<32xi32, #tpu.memory_space<hbm>>
      tpu.enqueue_dma source(%dma_start3A_70 : memref<32xi32, #tpu.memory_space<hbm>>) target(%arg5 : memref<32xi32, #tpu.memory_space<vmem>>) target_semaphore(%run_scoped3A : memref<!tpu.dma_semaphore, #tpu.memory_space<semaphore_mem>>)
      %dma_wait3A_71 = tpu.memref_slice %arg3[%mul3A_2] : memref<2048xi32, #tpu.memory_space<hbm>> -> memref<32xi32, #tpu.memory_space<hbm>>
      %dma_wait3A_72 = tpu.memref_slice %arg3[%mul3A_2] : memref<2048xi32, #tpu.memory_space<hbm>> -> memref<32xi32, #tpu.memory_space<hbm>>
      tpu.wait_dma2 semaphore(%run_scoped3A : memref<!tpu.dma_semaphore, #tpu.memory_space<semaphore_mem>>) src(%dma_wait3A_72 : memref<32xi32, #tpu.memory_space<hbm>>) dst(%arg5 : memref<32xi32, #tpu.memory_space<vmem>>)
      tpu.yield
    }) : () -> ()
    %add3A_3 = arith.constant 32 : i32
    %add3A_4 = arith.addi %mul3A_2, %add3A_3 : i32
    "tpu.region"() ({
      %run_scoped3A = tpu.sem_alloc : memref<!tpu.dma_semaphore, #tpu.memory_space<semaphore_mem>>
      %dma_start3A_69 = tpu.memref_slice %arg3[%add3A_4] : memref<2048xi32, #tpu.memory_space<hbm>> -> memref<32xi32, #tpu.memory_space<hbm>>
      %dma_start3A_70 = tpu.memref_slice %arg3[%add3A_4] : memref<2048xi32, #tpu.memory_space<hbm>> -> memref<32xi32, #tpu.memory_space<hbm>>
      tpu.enqueue_dma source(%dma_start3A_70 : memref<32xi32, #tpu.memory_space<hbm>>) target(%arg6 : memref<32xi32, #tpu.memory_space<vmem>>) target_semaphore(%run_scoped3A : memref<!tpu.dma_semaphore, #tpu.memory_space<semaphore_mem>>)
      %dma_wait3A_71 = tpu.memref_slice %arg3[%add3A_4] : memref<2048xi32, #tpu.memory_space<hbm>> -> memref<32xi32, #tpu.memory_space<hbm>>
      %dma_wait3A_72 = tpu.memref_slice %arg3[%add3A_4] : memref<2048xi32, #tpu.memory_space<hbm>> -> memref<32xi32, #tpu.memory_space<hbm>>
      tpu.wait_dma2 semaphore(%run_scoped3A : memref<!tpu.dma_semaphore, #tpu.memory_space<semaphore_mem>>) src(%dma_wait3A_72 : memref<32xi32, #tpu.memory_space<hbm>>) dst(%arg6 : memref<32xi32, #tpu.memory_space<vmem>>)
      tpu.yield
    }) : () -> ()
    %dma_start3A = arith.constant 0 : i32
    %dma_start3A_5 = arith.constant 0 : i32
    %dma_start3A_6 = tpu.memref_slice %arg7[%dma_start3A, %dma_start3A_5] : memref<64x768xf32, #tpu.memory_space<vmem>> -> memref<32x768xf32, #tpu.memory_space<vmem>>
    %dma_start3A_7 = arith.constant 0 : i32
    %dma_start3A_8 = tpu.memref_slice %arg2[%mul3A_2, %dma_start3A_7] : memref<2048x768xf32, #tpu.memory_space<hbm>> -> memref<32x768xf32, #tpu.memory_space<hbm>>
    %dma_start3A_9 = arith.constant 0 : i32
    %dma_start3A_10 = arith.constant 0 : i32
    %dma_start3A_11 = tpu.memref_slice %arg7[%dma_start3A_9, %dma_start3A_10] : memref<64x768xf32, #tpu.memory_space<vmem>> -> memref<32x768xf32, #tpu.memory_space<vmem>>
    %dma_start3A_12 = arith.constant 0 : i32
    %dma_start3A_13 = tpu.memref_slice %arg2[%mul3A_2, %dma_start3A_12] : memref<2048x768xf32, #tpu.memory_space<hbm>> -> memref<32x768xf32, #tpu.memory_space<hbm>>
    tpu.enqueue_dma source(%dma_start3A_13 : memref<32x768xf32, #tpu.memory_space<hbm>>) target(%dma_start3A_11 : memref<32x768xf32, #tpu.memory_space<vmem>>) target_semaphore(%arg8 : memref<!tpu.dma_semaphore, #tpu.memory_space<semaphore_mem>>)
    %add3A_14 = arith.constant 32 : i32
    %add3A_15 = arith.addi %mul3A_2, %add3A_14 : i32
    %dma_start3A_16 = arith.constant 32 : i32
    %dma_start3A_17 = arith.constant 0 : i32
    %dma_start3A_18 = tpu.memref_slice %arg7[%dma_start3A_16, %dma_start3A_17] : memref<64x768xf32, #tpu.memory_space<vmem>> -> memref<32x768xf32, #tpu.memory_space<vmem>>
    %dma_start3A_19 = arith.constant 0 : i32
    %dma_start3A_20 = tpu.memref_slice %arg2[%add3A_15, %dma_start3A_19] : memref<2048x768xf32, #tpu.memory_space<hbm>> -> memref<32x768xf32, #tpu.memory_space<hbm>>
    %dma_start3A_21 = arith.constant 32 : i32
    %dma_start3A_22 = arith.constant 0 : i32
    %dma_start3A_23 = tpu.memref_slice %arg7[%dma_start3A_21, %dma_start3A_22] : memref<64x768xf32, #tpu.memory_space<vmem>> -> memref<32x768xf32, #tpu.memory_space<vmem>>
    %dma_start3A_24 = arith.constant 0 : i32
    %dma_start3A_25 = tpu.memref_slice %arg2[%add3A_15, %dma_start3A_24] : memref<2048x768xf32, #tpu.memory_space<hbm>> -> memref<32x768xf32, #tpu.memory_space<hbm>>
    tpu.enqueue_dma source(%dma_start3A_25 : memref<32x768xf32, #tpu.memory_space<hbm>>) target(%dma_start3A_23 : memref<32x768xf32, #tpu.memory_space<vmem>>) target_semaphore(%arg9 : memref<!tpu.dma_semaphore, #tpu.memory_space<semaphore_mem>>)
    %dma_wait3A = arith.constant 0 : i32
    %dma_wait3A_26 = arith.constant 0 : i32
    %dma_wait3A_27 = tpu.memref_slice %arg7[%dma_wait3A, %dma_wait3A_26] : memref<64x768xf32, #tpu.memory_space<vmem>> -> memref<32x768xf32, #tpu.memory_space<vmem>>
    %dma_wait3A_28 = arith.constant 0 : i32
    %dma_wait3A_29 = tpu.memref_slice %arg2[%mul3A_2, %dma_wait3A_28] : memref<2048x768xf32, #tpu.memory_space<hbm>> -> memref<32x768xf32, #tpu.memory_space<hbm>>
    %dma_wait3A_30 = arith.constant 0 : i32
    %dma_wait3A_31 = arith.constant 0 : i32
    %dma_wait3A_32 = tpu.memref_slice %arg7[%dma_wait3A_30, %dma_wait3A_31] : memref<64x768xf32, #tpu.memory_space<vmem>> -> memref<32x768xf32, #tpu.memory_space<vmem>>
    %dma_wait3A_33 = arith.constant 0 : i32
    %dma_wait3A_34 = tpu.memref_slice %arg2[%mul3A_2, %dma_wait3A_33] : memref<2048x768xf32, #tpu.memory_space<hbm>> -> memref<32x768xf32, #tpu.memory_space<hbm>>
    tpu.wait_dma2 semaphore(%arg8 : memref<!tpu.dma_semaphore, #tpu.memory_space<semaphore_mem>>) src(%dma_wait3A_34 : memref<32x768xf32, #tpu.memory_space<hbm>>) dst(%dma_wait3A_32 : memref<32x768xf32, #tpu.memory_space<vmem>>)
    %dma_start3A_35 = arith.constant 0 : i32
    %dma_start3A_36 = arith.constant 0 : i32
    %dma_start3A_37 = tpu.memref_slice %arg7[%dma_start3A_35, %dma_start3A_36] : memref<64x768xf32, #tpu.memory_space<vmem>> -> memref<32x768xf32, #tpu.memory_space<vmem>>
    %dma_start3A_38 = arith.constant 0 : i32
    %dma_start3A_39 = arith.constant 0 : i32
    %dma_start3A_40 = tpu.memref_slice %arg4[%dma_start3A_38, %dma_start3A_39] : memref<2048x768xf32, #tpu.memory_space<hbm>> -> memref<2048x768xf32, #tpu.memory_space<hbm>>
    tpu.enqueue_indirect_dma source(%dma_start3A_37 : memref<32x768xf32, #tpu.memory_space<vmem>>) target(%dma_start3A_40 : memref<2048x768xf32, #tpu.memory_space<hbm>>) offsets(%arg5 : memref<32xi32, #tpu.memory_space<vmem>>) semaphore(%arg10 : memref<!tpu.dma_semaphore, #tpu.memory_space<semaphore_mem>>)
    %dma_wait3A_41 = arith.constant 32 : i32
    %dma_wait3A_42 = arith.constant 0 : i32
    %dma_wait3A_43 = tpu.memref_slice %arg7[%dma_wait3A_41, %dma_wait3A_42] : memref<64x768xf32, #tpu.memory_space<vmem>> -> memref<32x768xf32, #tpu.memory_space<vmem>>
    %dma_wait3A_44 = arith.constant 0 : i32
    %dma_wait3A_45 = tpu.memref_slice %arg2[%add3A_15, %dma_wait3A_44] : memref<2048x768xf32, #tpu.memory_space<hbm>> -> memref<32x768xf32, #tpu.memory_space<hbm>>
    %dma_wait3A_46 = arith.constant 32 : i32
    %dma_wait3A_47 = arith.constant 0 : i32
    %dma_wait3A_48 = tpu.memref_slice %arg7[%dma_wait3A_46, %dma_wait3A_47] : memref<64x768xf32, #tpu.memory_space<vmem>> -> memref<32x768xf32, #tpu.memory_space<vmem>>
    %dma_wait3A_49 = arith.constant 0 : i32
    %dma_wait3A_50 = tpu.memref_slice %arg2[%add3A_15, %dma_wait3A_49] : memref<2048x768xf32, #tpu.memory_space<hbm>> -> memref<32x768xf32, #tpu.memory_space<hbm>>
    tpu.wait_dma2 semaphore(%arg9 : memref<!tpu.dma_semaphore, #tpu.memory_space<semaphore_mem>>) src(%dma_wait3A_50 : memref<32x768xf32, #tpu.memory_space<hbm>>) dst(%dma_wait3A_48 : memref<32x768xf32, #tpu.memory_space<vmem>>)
    %dma_start3A_51 = arith.constant 32 : i32
    %dma_start3A_52 = arith.constant 0 : i32
    %dma_start3A_53 = tpu.memref_slice %arg7[%dma_start3A_51, %dma_start3A_52] : memref<64x768xf32, #tpu.memory_space<vmem>> -> memref<32x768xf32, #tpu.memory_space<vmem>>
    %dma_start3A_54 = arith.constant 0 : i32
    %dma_start3A_55 = arith.constant 0 : i32
    %dma_start3A_56 = tpu.memref_slice %arg4[%dma_start3A_54, %dma_start3A_55] : memref<2048x768xf32, #tpu.memory_space<hbm>> -> memref<2048x768xf32, #tpu.memory_space<hbm>>
    tpu.enqueue_indirect_dma source(%dma_start3A_53 : memref<32x768xf32, #tpu.memory_space<vmem>>) target(%dma_start3A_56 : memref<2048x768xf32, #tpu.memory_space<hbm>>) offsets(%arg6 : memref<32xi32, #tpu.memory_space<vmem>>) semaphore(%arg8 : memref<!tpu.dma_semaphore, #tpu.memory_space<semaphore_mem>>)
    %dma_wait3A_57 = arith.constant 0 : i32
    %dma_wait3A_58 = arith.constant 0 : i32
    %dma_wait3A_59 = tpu.memref_slice %arg7[%dma_wait3A_57, %dma_wait3A_58] : memref<64x768xf32, #tpu.memory_space<vmem>> -> memref<32x768xf32, #tpu.memory_space<vmem>>
    %dma_wait3A_60 = arith.constant 0 : i32
    %dma_wait3A_61 = arith.constant 0 : i32
    %dma_wait3A_62 = tpu.memref_slice %arg4[%dma_wait3A_60, %dma_wait3A_61] : memref<2048x768xf32, #tpu.memory_space<hbm>> -> memref<2048x768xf32, #tpu.memory_space<hbm>>
    tpu.wait_indirect_dma semaphore(%arg10 : memref<!tpu.dma_semaphore, #tpu.memory_space<semaphore_mem>>) src(%dma_wait3A_59 : memref<32x768xf32, #tpu.memory_space<vmem>>) dst(%dma_wait3A_62 : memref<2048x768xf32, #tpu.memory_space<hbm>>)
    %dma_wait3A_63 = arith.constant 32 : i32
    %dma_wait3A_64 = arith.constant 0 : i32
    %dma_wait3A_65 = tpu.memref_slice %arg7[%dma_wait3A_63, %dma_wait3A_64] : memref<64x768xf32, #tpu.memory_space<vmem>> -> memref<32x768xf32, #tpu.memory_space<vmem>>
    %dma_wait3A_66 = arith.constant 0 : i32
    %dma_wait3A_67 = arith.constant 0 : i32
    %dma_wait3A_68 = tpu.memref_slice %arg4[%dma_wait3A_66, %dma_wait3A_67] : memref<2048x768xf32, #tpu.memory_space<hbm>> -> memref<2048x768xf32, #tpu.memory_space<hbm>>
    tpu.wait_indirect_dma semaphore(%arg8 : memref<!tpu.dma_semaphore, #tpu.memory_space<semaphore_mem>>) src(%dma_wait3A_65 : memref<32x768xf32, #tpu.memory_space<vmem>>) dst(%dma_wait3A_68 : memref<2048x768xf32, #tpu.memory_space<hbm>>)
    return
  }
}

module attributes {stable_mosaic.version = 14 : i64} {
  func.func @_ffn_body(%arg0: i32, %arg1: memref<5x32xi32, #tpu.memory_space<smem>>, %arg2: memref<256x768xf32, #tpu.memory_space<vmem>>, %arg3: memref<1x768x768xf32, #tpu.memory_space<vmem>>, %arg4: memref<1x1x768xf32, #tpu.memory_space<vmem>>, %arg5: memref<1x768x768xf32, #tpu.memory_space<vmem>>, %arg6: memref<1x1x768xf32, #tpu.memory_space<vmem>>, %arg7: memref<256x768xf32, #tpu.memory_space<vmem>>) attributes {dimension_semantics = [#tpu.dimension_semantics<arbitrary>], iteration_bounds = array<i64: 23>, scalar_prefetch = 1 : i64, scratch_operands = 0 : i64, tpu.core_type = #tpu.core_type<tc>, window_params = [{transform_indices = @transform_0, window_bounds = array<i64: 256, 768>}, {transform_indices = @transform_1, window_bounds = array<i64: 1, 768, 768>}, {transform_indices = @transform_2, window_bounds = array<i64: 1, 1, 768>}, {transform_indices = @transform_3, window_bounds = array<i64: 1, 768, 768>}, {transform_indices = @transform_4, window_bounds = array<i64: 1, 1, 768>}, {transform_indices = @transform_5, window_bounds = array<i64: 256, 768>}]} {
    %get3A = arith.constant 0 : index
    %get3A_0 = arith.constant 0 : index
    %get3A_1 = vector.load %arg2[%get3A, %get3A_0] : memref<256x768xf32, #tpu.memory_space<vmem>>, vector<256x768xf32>
    %convert_element_type3A = arith.truncf %get3A_1 : vector<256x768xf32> to vector<256x768xbf16>
    %get3A_2 = arith.constant 0 : index
    %get3A_3 = arith.constant 0 : index
    %get3A_4 = arith.constant 0 : index
    %get3A_5 = vector.load %arg3[%get3A_2, %get3A_3, %get3A_4] : memref<1x768x768xf32, #tpu.memory_space<vmem>>, vector<1x768x768xf32>
    %get3A_6 = vector.shape_cast %get3A_5 : vector<1x768x768xf32> to vector<768x768xf32>
    %convert_element_type3A_7 = arith.truncf %get3A_6 : vector<768x768xf32> to vector<768x768xbf16>
    %dot_general3A = arith.constant dense<0.000000e+00> : vector<256x768xf32>
    %dot_general3A_8 = tpu.matmul %convert_element_type3A, %convert_element_type3A_7, %dot_general3A {dimension_numbers = #tpu.dot_dimension_numbers<[1], [1], [0], [0], [0, 0, 1, 0], [], []>, transpose_lhs_hint = false} : vector<256x768xbf16>, vector<768x768xbf16>, vector<256x768xf32> -> vector<256x768xf32>
    %get3A_9 = arith.constant 0 : index
    %get3A_10 = arith.constant 0 : index
    %get3A_11 = arith.constant 0 : index
    %get3A_12 = vector.load %arg4[%get3A_9, %get3A_10, %get3A_11] : memref<1x1x768xf32, #tpu.memory_space<vmem>>, vector<1x1x768xf32>
    %get3A_13 = vector.shape_cast %get3A_12 : vector<1x1x768xf32> to vector<1x768xf32>
    %add3A = vector.broadcast %get3A_13 : vector<1x768xf32> to vector<256x768xf32>
    %add3A_14 = arith.addf %dot_general3A_8, %add3A : vector<256x768xf32>
    %mul3A = arith.constant 5.000000e-01 : f32
    %mul3A_15 = vector.broadcast %mul3A : f32 to vector<256x768xf32>
    %mul3A_16 = arith.mulf %mul3A_15, %add3A_14 : vector<256x768xf32>
    %mul3A_17 = arith.constant 0.707106769 : f32
    %mul3A_18 = vector.broadcast %mul3A_17 : f32 to vector<256x768xf32>
    %mul3A_19 = arith.mulf %add3A_14, %mul3A_18 : vector<256x768xf32>
    %erf3A = math.erf %mul3A_19 : vector<256x768xf32>
    %add3A_20 = arith.constant 1.000000e+00 : f32
    %add3A_21 = vector.broadcast %add3A_20 : f32 to vector<256x768xf32>
    %add3A_22 = arith.addf %add3A_21, %erf3A : vector<256x768xf32>
    %mul3A_23 = arith.mulf %mul3A_16, %add3A_22 : vector<256x768xf32>
    %get3A_24 = arith.constant 0 : index
    %get3A_25 = arith.constant 0 : index
    %get3A_26 = arith.constant 0 : index
    %get3A_27 = vector.load %arg5[%get3A_24, %get3A_25, %get3A_26] : memref<1x768x768xf32, #tpu.memory_space<vmem>>, vector<1x768x768xf32>
    %get3A_28 = vector.shape_cast %get3A_27 : vector<1x768x768xf32> to vector<768x768xf32>
    %convert_element_type3A_29 = arith.truncf %get3A_28 : vector<768x768xf32> to vector<768x768xbf16>
    %convert_element_type3A_30 = arith.truncf %mul3A_23 : vector<256x768xf32> to vector<256x768xbf16>
    %dot_general3A_31 = arith.constant dense<0.000000e+00> : vector<256x768xf32>
    %dot_general3A_32 = tpu.matmul %convert_element_type3A_30, %convert_element_type3A_29, %dot_general3A_31 {dimension_numbers = #tpu.dot_dimension_numbers<[1], [1], [0], [0], [0, 0, 1, 0], [], []>, transpose_lhs_hint = false} : vector<256x768xbf16>, vector<768x768xbf16>, vector<256x768xf32> -> vector<256x768xf32>
    %get3A_33 = arith.constant 0 : index
    %get3A_34 = arith.constant 0 : index
    %get3A_35 = arith.constant 0 : index
    %get3A_36 = vector.load %arg6[%get3A_33, %get3A_34, %get3A_35] : memref<1x1x768xf32, #tpu.memory_space<vmem>>, vector<1x1x768xf32>
    %get3A_37 = vector.shape_cast %get3A_36 : vector<1x1x768xf32> to vector<1x768xf32>
    %add3A_38 = vector.broadcast %get3A_37 : vector<1x768xf32> to vector<256x768xf32>
    %add3A_39 = arith.addf %dot_general3A_32, %add3A_38 : vector<256x768xf32>
    %iota3A = tpu.iota {dimensions = array<i32: 0>} : vector<256x1xi32>
    %get3A_40 = arith.constant 2 : index
    %get3A_41 = arith.index_cast %arg0 : i32 to index
    %get3A_42 = memref.load %arg1[%get3A_40, %get3A_41] : memref<5x32xi32, #tpu.memory_space<smem>>
    %ge3A = vector.broadcast %get3A_42 : i32 to vector<256x1xi32>
    %ge3A_43 = arith.cmpi sge, %iota3A, %ge3A : vector<256x1xi32>
    %get3A_44 = arith.constant 3 : index
    %get3A_45 = arith.index_cast %arg0 : i32 to index
    %get3A_46 = memref.load %arg1[%get3A_44, %get3A_45] : memref<5x32xi32, #tpu.memory_space<smem>>
    %lt3A = vector.broadcast %get3A_46 : i32 to vector<256x1xi32>
    %lt3A_47 = arith.cmpi slt, %iota3A, %lt3A : vector<256x1xi32>
    %and3A = arith.andi %ge3A_43, %lt3A_47 : vector<256x1xi1>
    %jit3A = arith.constant 0.000000e+00 : f32
    %broadcast_in_dim3A = vector.shape_cast %and3A : vector<256x1xi1> to vector<256x1xi1>
    %broadcast_in_dim3A_48 = vector.broadcast %broadcast_in_dim3A : vector<256x1xi1> to vector<256x768xi1>
    %broadcast_in_dim3A_49 = vector.broadcast %jit3A : f32 to vector<256x768xf32>
    %select_n3A = arith.select %broadcast_in_dim3A_48, %add3A_39, %broadcast_in_dim3A_49 : vector<256x768xi1>, vector<256x768xf32>
    %get3A_50 = arith.constant 4 : index
    %get3A_51 = arith.index_cast %arg0 : i32 to index
    %get3A_52 = memref.load %arg1[%get3A_50, %get3A_51] : memref<5x32xi32, #tpu.memory_space<smem>>
    %eq3A = arith.constant 1 : i32
    %eq3A_53 = arith.cmpi eq, %get3A_52, %eq3A : i32
    %convert_element_type3A_54 = arith.extui %eq3A_53 : i1 to i32
    %cond3A = arith.constant 0 : i32
    %cond3A_55 = arith.cmpi ne, %convert_element_type3A_54, %cond3A : i32
    scf.if %cond3A_55 {
      %swap3A = arith.constant 0 : index
      %swap3A_64 = arith.constant 0 : index
      %swap3A_65 = vector.load %arg7[%swap3A, %swap3A_64] : memref<256x768xf32, #tpu.memory_space<vmem>>, vector<256x768xf32>
      tpu.vector_store %arg7[%swap3A, %swap3A_64], %select_n3A {strides = array<i32>} : memref<256x768xf32, #tpu.memory_space<vmem>>, vector<256x768xf32>,
    } else {
    }
    %get3A_56 = arith.constant 4 : index
    %get3A_57 = arith.index_cast %arg0 : i32 to index
    %get3A_58 = memref.load %arg1[%get3A_56, %get3A_57] : memref<5x32xi32, #tpu.memory_space<smem>>
    %eq3A_59 = arith.constant 0 : i32
    %eq3A_60 = arith.cmpi eq, %get3A_58, %eq3A_59 : i32
    %convert_element_type3A_61 = arith.extui %eq3A_60 : i1 to i32
    %cond3A_62 = arith.constant 0 : i32
    %cond3A_63 = arith.cmpi ne, %convert_element_type3A_61, %cond3A_62 : i32
    scf.if %cond3A_63 {
      %get3A_64 = arith.constant 0 : index
      %get3A_65 = arith.constant 0 : index
      %get3A_66 = vector.load %arg7[%get3A_64, %get3A_65] : memref<256x768xf32, #tpu.memory_space<vmem>>, vector<256x768xf32>
      %add3A_67 = arith.addf %get3A_66, %select_n3A : vector<256x768xf32>
      %swap3A = arith.constant 0 : index
      %swap3A_68 = arith.constant 0 : index
      %swap3A_69 = vector.load %arg7[%swap3A, %swap3A_68] : memref<256x768xf32, #tpu.memory_space<vmem>>, vector<256x768xf32>
      tpu.vector_store %arg7[%swap3A, %swap3A_68], %add3A_67 {strides = array<i32>} : memref<256x768xf32, #tpu.memory_space<vmem>>, vector<256x768xf32>,
    } else {
    }
    return
  }
  func.func @transform_0(%arg0: i32, %arg1: memref<5x32xi32, #tpu.memory_space<smem>>) -> (i32, i32) {
    %get3A = arith.constant 0 : index
    %get3A_0 = arith.index_cast %arg0 : i32 to index
    %get3A_1 = memref.load %arg1[%get3A, %get3A_0] : memref<5x32xi32, #tpu.memory_space<smem>>
    %c0_i32 = arith.constant 0 : i32
    %c0_i32_2 = arith.constant 0 : i32
    return %get3A_1, %c0_i32 : i32, i32
  }
  func.func @transform_1(%arg0: i32, %arg1: memref<5x32xi32, #tpu.memory_space<smem>>) -> (i32, i32, i32) {
    %get3A = arith.constant 1 : index
    %get3A_0 = arith.index_cast %arg0 : i32 to index
    %get3A_1 = memref.load %arg1[%get3A, %get3A_0] : memref<5x32xi32, #tpu.memory_space<smem>>
    %c0_i32 = arith.constant 0 : i32
    %c0_i32_2 = arith.constant 0 : i32
    %c0_i32_3 = arith.constant 0 : i32
    return %get3A_1, %c0_i32, %c0_i32_2 : i32, i32, i32
  }
  func.func @transform_2(%arg0: i32, %arg1: memref<5x32xi32, #tpu.memory_space<smem>>) -> (i32, i32, i32) {
    %get3A = arith.constant 1 : index
    %get3A_0 = arith.index_cast %arg0 : i32 to index
    %get3A_1 = memref.load %arg1[%get3A, %get3A_0] : memref<5x32xi32, #tpu.memory_space<smem>>
    %c0_i32 = arith.constant 0 : i32
    %c0_i32_2 = arith.constant 0 : i32
    %c0_i32_3 = arith.constant 0 : i32
    return %get3A_1, %c0_i32, %c0_i32_2 : i32, i32, i32
  }
  func.func @transform_3(%arg0: i32, %arg1: memref<5x32xi32, #tpu.memory_space<smem>>) -> (i32, i32, i32) {
    %get3A = arith.constant 1 : index
    %get3A_0 = arith.index_cast %arg0 : i32 to index
    %get3A_1 = memref.load %arg1[%get3A, %get3A_0] : memref<5x32xi32, #tpu.memory_space<smem>>
    %c0_i32 = arith.constant 0 : i32
    %c0_i32_2 = arith.constant 0 : i32
    %c0_i32_3 = arith.constant 0 : i32
    return %get3A_1, %c0_i32, %c0_i32_2 : i32, i32, i32
  }
  func.func @transform_4(%arg0: i32, %arg1: memref<5x32xi32, #tpu.memory_space<smem>>) -> (i32, i32, i32) {
    %get3A = arith.constant 1 : index
    %get3A_0 = arith.index_cast %arg0 : i32 to index
    %get3A_1 = memref.load %arg1[%get3A, %get3A_0] : memref<5x32xi32, #tpu.memory_space<smem>>
    %c0_i32 = arith.constant 0 : i32
    %c0_i32_2 = arith.constant 0 : i32
    %c0_i32_3 = arith.constant 0 : i32
    return %get3A_1, %c0_i32, %c0_i32_2 : i32, i32, i32
  }
  func.func @transform_5(%arg0: i32, %arg1: memref<5x32xi32, #tpu.memory_space<smem>>) -> (i32, i32) {
    %get3A = arith.constant 0 : index
    %get3A_0 = arith.index_cast %arg0 : i32 to index
    %get3A_1 = memref.load %arg1[%get3A, %get3A_0] : memref<5x32xi32, #tpu.memory_space<smem>>
    %c0_i32 = arith.constant 0 : i32
    %c0_i32_2 = arith.constant 0 : i32
    return %get3A_1, %c0_i32 : i32, i32
  }
}

module attributes {stable_mosaic.version = 14 : i64} {
  func.func @_gate_body(%arg0: memref<2048x768xf32, #tpu.memory_space<vmem>>, %arg1: memref<16x768xf32, #tpu.memory_space<vmem>>, %arg2: memref<1x16xf32, #tpu.memory_space<vmem>>, %arg3: memref<2048xi32, #tpu.memory_space<vmem>>, %arg4: memref<5x32xi32, #tpu.memory_space<vmem>>, %arg5: memref<1x1xf32, #tpu.memory_space<vmem>>, %arg6: memref<2048x16xf32, #tpu.memory_space<vmem>>) attributes {dimension_semantics = [], scalar_prefetch = 0 : i64, scratch_operands = 1 : i64, tpu.core_type = #tpu.core_type<tc>} {
    %get3A = arith.constant 0 : index
    %get3A_0 = arith.constant 0 : index
    %get3A_1 = vector.load %arg0[%get3A, %get3A_0] : memref<2048x768xf32, #tpu.memory_space<vmem>>, vector<2048x768xf32>
    %get3A_2 = arith.constant 0 : index
    %get3A_3 = arith.constant 0 : index
    %get3A_4 = vector.load %arg1[%get3A_2, %get3A_3] : memref<16x768xf32, #tpu.memory_space<vmem>>, vector<16x768xf32>
    %dot_general3A = arith.constant dense<0.000000e+00> : vector<2048x16xf32>
    %dot_general3A_5 = tpu.matmul %get3A_1, %get3A_4, %dot_general3A {dimension_numbers = #tpu.dot_dimension_numbers<[1], [1], [0], [0], [0, 0, 1, 0], [], []>, transpose_lhs_hint = false} : vector<2048x768xf32>, vector<16x768xf32>, vector<2048x16xf32> -> vector<2048x16xf32>
    %get3A_6 = arith.constant 0 : index
    %get3A_7 = arith.constant 0 : index
    %get3A_8 = vector.load %arg2[%get3A_6, %get3A_7] : memref<1x16xf32, #tpu.memory_space<vmem>>, vector<1x16xf32>
    %add3A = vector.broadcast %get3A_8 : vector<1x16xf32> to vector<2048x16xf32>
    %add3A_9 = arith.addf %dot_general3A_5, %add3A : vector<2048x16xf32>
    %reduce_max3A = arith.constant dense<0xFF800000> : vector<2048xf32>
    %reduce_max3A_10 = vector.multi_reduction <maximumf>, %add3A_9, %reduce_max3A [1] : vector<2048x16xf32> to vector<2048xf32>
    %broadcast_in_dim3A = vector.shape_cast %reduce_max3A_10 : vector<2048xf32> to vector<2048x1xf32>
    %sub3A = vector.broadcast %broadcast_in_dim3A : vector<2048x1xf32> to vector<2048x16xf32>
    %sub3A_11 = arith.subf %add3A_9, %sub3A : vector<2048x16xf32>
    %exp3A = math.exp %sub3A_11 : vector<2048x16xf32>
    %reduce_sum3A = arith.constant dense<0.000000e+00> : vector<2048xf32>
    %reduce_sum3A_12 = vector.multi_reduction <add>, %exp3A, %reduce_sum3A [1] : vector<2048x16xf32> to vector<2048xf32>
    %broadcast_in_dim3A_13 = vector.shape_cast %reduce_sum3A_12 : vector<2048xf32> to vector<2048x1xf32>
    %div3A = vector.broadcast %broadcast_in_dim3A_13 : vector<2048x1xf32> to vector<2048x16xf32>
    %div3A_14 = arith.divf %exp3A, %div3A : vector<2048x16xf32>
    %iota3A = tpu.iota {dimensions = array<i32: 1>} : vector<2048x16xi32>
    %eq3A = vector.broadcast %broadcast_in_dim3A : vector<2048x1xf32> to vector<2048x16xf32>
    %eq3A_15 = arith.cmpf oeq, %add3A_9, %eq3A : vector<2048x16xf32>
    %jit3A = arith.constant 16 : i32
    %broadcast_in_dim3A_16 = vector.broadcast %jit3A : i32 to vector<2048x16xi32>
    %select_n3A = arith.select %eq3A_15, %iota3A, %broadcast_in_dim3A_16 : vector<2048x16xi1>, vector<2048x16xi32>
    %reduce_min3A = arith.constant dense<2147483647> : vector<2048xi32>
    %reduce_min3A_17 = vector.multi_reduction <minsi>, %select_n3A, %reduce_min3A [1] : vector<2048x16xi32> to vector<2048xi32>
    %broadcast_in_dim3A_18 = vector.shape_cast %reduce_min3A_17 : vector<2048xi32> to vector<2048x1xi32>
    %eq3A_19 = vector.broadcast %broadcast_in_dim3A_18 : vector<2048x1xi32> to vector<2048x16xi32>
    %eq3A_20 = arith.cmpi eq, %iota3A, %eq3A_19 : vector<2048x16xi32>
    %convert_element_type3A = arith.extui %eq3A_20 : vector<2048x16xi1> to vector<2048x16xi32>
    %convert_element_type3A_21 = arith.sitofp %convert_element_type3A : vector<2048x16xi32> to vector<2048x16xf32>
    %swap3A = arith.constant 0 : index
    %swap3A_22 = arith.constant 0 : index
    %swap3A_23 = vector.load %arg6[%swap3A, %swap3A_22] : memref<2048x16xf32, #tpu.memory_space<vmem>>, vector<2048x16xf32>
    tpu.vector_store %arg6[%swap3A, %swap3A_22], %convert_element_type3A_21 {strides = array<i32>} : memref<2048x16xf32, #tpu.memory_space<vmem>>, vector<2048x16xf32>,
    %reduce_sum3A_24 = arith.constant dense<0.000000e+00> : vector<16xf32>
    %reduce_sum3A_25 = vector.multi_reduction <add>, %convert_element_type3A_21, %reduce_sum3A_24 [0] : vector<2048x16xf32> to vector<16xf32>
    %broadcast_in_dim3A_26 = vector.shape_cast %reduce_sum3A_25 : vector<16xf32> to vector<1x16xf32>
    %reduce_sum3A_27 = arith.constant dense<0.000000e+00> : vector<16xf32>
    %reduce_sum3A_28 = vector.multi_reduction <add>, %div3A_14, %reduce_sum3A_27 [0] : vector<2048x16xf32> to vector<16xf32>
    %broadcast_in_dim3A_29 = vector.shape_cast %reduce_sum3A_28 : vector<16xf32> to vector<1x16xf32>
    %mul3A = arith.constant 4.8828125E-4 : f32
    %mul3A_30 = vector.broadcast %mul3A : f32 to vector<1x16xf32>
    %mul3A_31 = arith.mulf %broadcast_in_dim3A_29, %mul3A_30 : vector<1x16xf32>
    %mul3A_32 = arith.mulf %mul3A_31, %broadcast_in_dim3A_26 : vector<1x16xf32>
    %reduce_sum3A_33 = vector.shape_cast %mul3A_32 : vector<1x16xf32> to vector<1x1x16xf32>
    %reduce_sum3A_34 = arith.constant dense<0.000000e+00> : vector<1xf32>
    %reduce_sum3A_35 = vector.multi_reduction <add>, %reduce_sum3A_33, %reduce_sum3A_34 [1, 2] : vector<1x1x16xf32> to vector<1xf32>
    %reduce_sum3A_36 = vector.shape_cast %reduce_sum3A_35 : vector<1xf32> to vector<1x1x1xf32>
    %reduce_sum3A_37 = vector.extract %reduce_sum3A_36[0, 0, 0] : f32 from vector<1x1x1xf32>
    %mul3A_38 = arith.constant 7.812500e-03 : f32
    %mul3A_39 = arith.mulf %reduce_sum3A_37, %mul3A_38 : f32
    %reshape3A = vector.broadcast %mul3A_39 : f32 to vector<1x1xf32>
    %swap3A_40 = arith.constant 0 : index
    %swap3A_41 = arith.constant 0 : index
    %swap3A_42 = vector.load %arg5[%swap3A_40, %swap3A_41] : memref<1x1xf32, #tpu.memory_space<vmem>>, vector<1x1xf32>
    tpu.vector_store %arg5[%swap3A_40, %swap3A_41], %reshape3A {strides = array<i32>} : memref<1x1xf32, #tpu.memory_space<vmem>>, vector<1x1xf32>,
    %iota3A_43 = tpu.iota {dimensions = array<i32: 0>} : vector<16x16xi32>
    %iota3A_44 = tpu.iota {dimensions = array<i32: 1>} : vector<16x16xi32>
    %lt3A = arith.cmpi slt, %iota3A_43, %iota3A_44 : vector<16x16xi32>
    %convert_element_type3A_45 = arith.extui %lt3A : vector<16x16xi1> to vector<16x16xi32>
    %convert_element_type3A_46 = arith.sitofp %convert_element_type3A_45 : vector<16x16xi32> to vector<16x16xf32>
    %dot_general3A_47 = arith.constant dense<0.000000e+00> : vector<1x16xf32>
    %dot_general3A_48 = tpu.matmul %broadcast_in_dim3A_26, %convert_element_type3A_46, %dot_general3A_47 {dimension_numbers = #tpu.dot_dimension_numbers<[1], [0], [0], [1], [0, 0, 1, 1], [], []>, transpose_lhs_hint = false} : vector<1x16xf32>, vector<16x16xf32>, vector<1x16xf32> -> vector<1x16xf32>
    %iota3A_49 = tpu.iota {dimensions = array<i32: 1>} : vector<256x256xi32>
    %iota3A_50 = tpu.iota {dimensions = array<i32: 0>} : vector<256x256xi32>
    %le3A = arith.cmpi sle, %iota3A_49, %iota3A_50 : vector<256x256xi32>
    %convert_element_type3A_51 = arith.extui %le3A : vector<256x256xi1> to vector<256x256xi32>
    %convert_element_type3A_52 = arith.sitofp %convert_element_type3A_51 : vector<256x256xi32> to vector<256x256xf32>
    %broadcast_in_dim3A_53 = arith.constant 0.000000e+00 : f32
    %broadcast_in_dim3A_54 = vector.broadcast %broadcast_in_dim3A_53 : f32 to vector<1x16xf32>
    %scan3A = arith.constant 0 : i32
    %scan3A_55 = arith.constant 8 : i32
    %scan3A_56 = arith.addi %scan3A, %scan3A_55 : i32
    %scan3A_57 = arith.constant 1 : i32
    %scan3A_58 = scf.for %scan3A_240 = %scan3A to %scan3A_56 step %scan3A_57 iter_args(%scan3A_241 = %broadcast_in_dim3A_54) -> (vector<1x16xf32>)  : i32 {
      %mul3A_242 = arith.constant 256 : i32
      %mul3A_243 = arith.muli %scan3A_240, %mul3A_242 : i32
      %get3A_244 = arith.index_cast %mul3A_243 : i32 to index
      %get3A_245 = arith.constant 0 : index
      %get3A_246 = vector.load %arg6[%get3A_244, %get3A_245] : memref<2048x16xf32, #tpu.memory_space<vmem>>, vector<256x16xf32>
      %dot_general3A_247 = arith.constant dense<0.000000e+00> : vector<256x16xf32>
      %dot_general3A_248 = tpu.matmul %convert_element_type3A_52, %get3A_246, %dot_general3A_247 {dimension_numbers = #tpu.dot_dimension_numbers<[1], [0], [0], [1], [0, 0, 1, 1], [], []>, transpose_lhs_hint = false} : vector<256x256xf32>, vector<256x16xf32>, vector<256x16xf32> -> vector<256x16xf32>
      %add3A_249 = vector.broadcast %scan3A_241 : vector<1x16xf32> to vector<256x16xf32>
      %add3A_250 = arith.addf %dot_general3A_248, %add3A_249 : vector<256x16xf32>
      %mul3A_251 = arith.mulf %add3A_250, %get3A_246 : vector<256x16xf32>
      %reduce_sum3A_252 = arith.constant dense<0.000000e+00> : vector<256xf32>
      %reduce_sum3A_253 = vector.multi_reduction <add>, %mul3A_251, %reduce_sum3A_252 [1] : vector<256x16xf32> to vector<256xf32>
      %broadcast_in_dim3A_254 = vector.shape_cast %reduce_sum3A_253 : vector<256xf32> to vector<256x1xf32>
      %sub3A_255 = arith.constant 1.000000e+00 : f32
      %sub3A_256 = vector.broadcast %sub3A_255 : f32 to vector<256x1xf32>
      %sub3A_257 = arith.subf %broadcast_in_dim3A_254, %sub3A_256 : vector<256x1xf32>
      %mul3A_258 = vector.broadcast %dot_general3A_48 : vector<1x16xf32> to vector<256x16xf32>
      %mul3A_259 = arith.mulf %mul3A_258, %get3A_246 : vector<256x16xf32>
      %reduce_sum3A_260 = arith.constant dense<0.000000e+00> : vector<256xf32>
      %reduce_sum3A_261 = vector.multi_reduction <add>, %mul3A_259, %reduce_sum3A_260 [1] : vector<256x16xf32> to vector<256xf32>
      %broadcast_in_dim3A_262 = vector.shape_cast %reduce_sum3A_261 : vector<256xf32> to vector<256x1xf32>
      %add3A_263 = arith.addf %sub3A_257, %broadcast_in_dim3A_262 : vector<256x1xf32>
      %convert_element_type3A_264 = arith.fptosi %add3A_263 : vector<256x1xf32> to vector<256x1xi32>
      %reshape3A_265 = vector.shape_cast %convert_element_type3A_264 : vector<256x1xi32> to vector<256xi32>
      %mul3A_266 = arith.constant 256 : i32
      %mul3A_267 = arith.muli %scan3A_240, %mul3A_266 : i32
      %swap3A_268 = arith.index_cast %mul3A_267 : i32 to index
      %swap3A_269 = vector.load %arg3[%swap3A_268] : memref<2048xi32, #tpu.memory_space<vmem>>, vector<256xi32>
      tpu.vector_store %arg3[%swap3A_268], %reshape3A_265 {strides = array<i32>} : memref<2048xi32, #tpu.memory_space<vmem>>, vector<256xi32>,
      %reduce_sum3A_270 = arith.constant dense<0.000000e+00> : vector<16xf32>
      %reduce_sum3A_271 = vector.multi_reduction <add>, %get3A_246, %reduce_sum3A_270 [0] : vector<256x16xf32> to vector<16xf32>
      %broadcast_in_dim3A_272 = vector.shape_cast %reduce_sum3A_271 : vector<16xf32> to vector<1x16xf32>
      %add3A_273 = arith.addf %scan3A_241, %broadcast_in_dim3A_272 : vector<1x16xf32>
      scf.yield %add3A_273 : vector<1x16xf32>
    }
    %scan3A_59 = arith.constant 8 : i32
    %concatenate3A = tpu.concatenate %dot_general3A_48, %dot_general3A_48, %dot_general3A_48, %dot_general3A_48, %dot_general3A_48, %dot_general3A_48, %dot_general3A_48, %dot_general3A_48 in 1 : vector<1x16xf32>, vector<1x16xf32>, vector<1x16xf32>, vector<1x16xf32>, vector<1x16xf32>, vector<1x16xf32>, vector<1x16xf32>, vector<1x16xf32> -> vector<1x128xf32>
    %convert_element_type3A_60 = arith.fptosi %concatenate3A : vector<1x128xf32> to vector<1x128xi32>
    %concatenate3A_61 = tpu.concatenate %broadcast_in_dim3A_26, %broadcast_in_dim3A_26, %broadcast_in_dim3A_26, %broadcast_in_dim3A_26, %broadcast_in_dim3A_26, %broadcast_in_dim3A_26, %broadcast_in_dim3A_26, %broadcast_in_dim3A_26 in 1 : vector<1x16xf32>, vector<1x16xf32>, vector<1x16xf32>, vector<1x16xf32>, vector<1x16xf32>, vector<1x16xf32>, vector<1x16xf32>, vector<1x16xf32> -> vector<1x128xf32>
    %convert_element_type3A_62 = arith.fptosi %concatenate3A_61 : vector<1x128xf32> to vector<1x128xi32>
    %add3A_63 = arith.addi %convert_element_type3A_60, %convert_element_type3A_62 : vector<1x128xi32>
    %iota3A_64 = tpu.iota {dimensions = array<i32: 1>} : vector<1x128xi32>
    %jit3A_65 = arith.constant 16 : i32
    %div3A_66 = vector.broadcast %jit3A_65 : i32 to vector<1x128xi32>
    %div3A_67 = arith.divsi %iota3A_64, %div3A_66 : vector<1x128xi32>
    %sign3A = arith.constant 0 : i32
    %sign3A_68 = vector.broadcast %sign3A : i32 to vector<1x128xi32>
    %sign3A_69 = arith.cmpi sgt, %iota3A_64, %sign3A_68 : vector<1x128xi32>
    %sign3A_70 = arith.extui %sign3A_69 : vector<1x128xi1> to vector<1x128xi32>
    %sign3A_71 = arith.constant 0 : i32
    %sign3A_72 = vector.broadcast %sign3A_71 : i32 to vector<1x128xi32>
    %sign3A_73 = arith.cmpi slt, %iota3A_64, %sign3A_72 : vector<1x128xi32>
    %sign3A_74 = arith.extui %sign3A_73 : vector<1x128xi1> to vector<1x128xi32>
    %sign3A_75 = arith.subi %sign3A_70, %sign3A_74 : vector<1x128xi32>
    %sign3A_76 = arith.constant 0 : i32
    %sign3A_77 = arith.cmpi sgt, %jit3A_65, %sign3A_76 : i32
    %sign3A_78 = arith.extui %sign3A_77 : i1 to i32
    %sign3A_79 = arith.constant 0 : i32
    %sign3A_80 = arith.cmpi slt, %jit3A_65, %sign3A_79 : i32
    %sign3A_81 = arith.extui %sign3A_80 : i1 to i32
    %sign3A_82 = arith.subi %sign3A_78, %sign3A_81 : i32
    %ne3A = vector.broadcast %sign3A_82 : i32 to vector<1x128xi32>
    %ne3A_83 = arith.cmpi ne, %sign3A_75, %ne3A : vector<1x128xi32>
    %rem3A = vector.broadcast %jit3A_65 : i32 to vector<1x128xi32>
    %rem3A_84 = arith.remsi %iota3A_64, %rem3A : vector<1x128xi32>
    %ne3A_85 = arith.constant 0 : i32
    %ne3A_86 = vector.broadcast %ne3A_85 : i32 to vector<1x128xi32>
    %ne3A_87 = arith.cmpi ne, %rem3A_84, %ne3A_86 : vector<1x128xi32>
    %and3A = arith.andi %ne3A_83, %ne3A_87 : vector<1x128xi1>
    %sub3A_88 = arith.constant 1 : i32
    %sub3A_89 = vector.broadcast %sub3A_88 : i32 to vector<1x128xi32>
    %sub3A_90 = arith.subi %div3A_67, %sub3A_89 : vector<1x128xi32>
    %select_n3A_91 = arith.select %and3A, %sub3A_90, %div3A_67 : vector<1x128xi1>, vector<1x128xi32>
    %mul3A_92 = arith.constant 16 : i32
    %mul3A_93 = vector.broadcast %mul3A_92 : i32 to vector<1x128xi32>
    %mul3A_94 = arith.muli %select_n3A_91, %mul3A_93 : vector<1x128xi32>
    %sub3A_95 = arith.subi %iota3A_64, %mul3A_94 : vector<1x128xi32>
    %mul3A_96 = arith.constant 256 : i32
    %mul3A_97 = vector.broadcast %mul3A_96 : i32 to vector<1x128xi32>
    %mul3A_98 = arith.muli %select_n3A_91, %mul3A_97 : vector<1x128xi32>
    %add3A_99 = arith.constant 256 : i32
    %add3A_100 = vector.broadcast %add3A_99 : i32 to vector<1x128xi32>
    %add3A_101 = arith.addi %mul3A_98, %add3A_100 : vector<1x128xi32>
    %lt3A_102 = arith.cmpi slt, %convert_element_type3A_60, %add3A_101 : vector<1x128xi32>
    %gt3A = arith.cmpi sgt, %add3A_63, %mul3A_98 : vector<1x128xi32>
    %and3A_103 = arith.andi %lt3A_102, %gt3A : vector<1x128xi1>
    %convert_element_type3A_104 = arith.extui %and3A_103 : vector<1x128xi1> to vector<1x128xi32>
    %convert_element_type3A_105 = arith.sitofp %convert_element_type3A_104 : vector<1x128xi32> to vector<1x128xf32>
    %iota3A_106 = tpu.iota {dimensions = array<i32: 0>} : vector<128x128xi32>
    %iota3A_107 = tpu.iota {dimensions = array<i32: 1>} : vector<128x128xi32>
    %le3A_108 = arith.cmpi sle, %iota3A_106, %iota3A_107 : vector<128x128xi32>
    %convert_element_type3A_109 = arith.extui %le3A_108 : vector<128x128xi1> to vector<128x128xi32>
    %convert_element_type3A_110 = arith.sitofp %convert_element_type3A_109 : vector<128x128xi32> to vector<128x128xf32>
    %dot_general3A_111 = arith.constant dense<0.000000e+00> : vector<1x128xf32>
    %dot_general3A_112 = tpu.matmul %convert_element_type3A_105, %convert_element_type3A_110, %dot_general3A_111 {dimension_numbers = #tpu.dot_dimension_numbers<[1], [0], [0], [1], [0, 0, 1, 1], [], []>, transpose_lhs_hint = false} : vector<1x128xf32>, vector<128x128xf32>, vector<1x128xf32> -> vector<1x128xf32>
    %le3A_113 = arith.cmpi sle, %iota3A_106, %iota3A_107 : vector<128x128xi32>
    %jit3A_114 = arith.constant 16 : i32
    %div3A_115 = vector.broadcast %jit3A_114 : i32 to vector<128x128xi32>
    %div3A_116 = arith.divsi %iota3A_106, %div3A_115 : vector<128x128xi32>
    %sign3A_117 = arith.constant 0 : i32
    %sign3A_118 = vector.broadcast %sign3A_117 : i32 to vector<128x128xi32>
    %sign3A_119 = arith.cmpi sgt, %iota3A_106, %sign3A_118 : vector<128x128xi32>
    %sign3A_120 = arith.extui %sign3A_119 : vector<128x128xi1> to vector<128x128xi32>
    %sign3A_121 = arith.constant 0 : i32
    %sign3A_122 = vector.broadcast %sign3A_121 : i32 to vector<128x128xi32>
    %sign3A_123 = arith.cmpi slt, %iota3A_106, %sign3A_122 : vector<128x128xi32>
    %sign3A_124 = arith.extui %sign3A_123 : vector<128x128xi1> to vector<128x128xi32>
    %sign3A_125 = arith.subi %sign3A_120, %sign3A_124 : vector<128x128xi32>
    %sign3A_126 = arith.constant 0 : i32
    %sign3A_127 = arith.cmpi sgt, %jit3A_114, %sign3A_126 : i32
    %sign3A_128 = arith.extui %sign3A_127 : i1 to i32
    %sign3A_129 = arith.constant 0 : i32
    %sign3A_130 = arith.cmpi slt, %jit3A_114, %sign3A_129 : i32
    %sign3A_131 = arith.extui %sign3A_130 : i1 to i32
    %sign3A_132 = arith.subi %sign3A_128, %sign3A_131 : i32
    %ne3A_133 = vector.broadcast %sign3A_132 : i32 to vector<128x128xi32>
    %ne3A_134 = arith.cmpi ne, %sign3A_125, %ne3A_133 : vector<128x128xi32>
    %rem3A_135 = vector.broadcast %jit3A_114 : i32 to vector<128x128xi32>
    %rem3A_136 = arith.remsi %iota3A_106, %rem3A_135 : vector<128x128xi32>
    %ne3A_137 = arith.constant 0 : i32
    %ne3A_138 = vector.broadcast %ne3A_137 : i32 to vector<128x128xi32>
    %ne3A_139 = arith.cmpi ne, %rem3A_136, %ne3A_138 : vector<128x128xi32>
    %and3A_140 = arith.andi %ne3A_134, %ne3A_139 : vector<128x128xi1>
    %sub3A_141 = arith.constant 1 : i32
    %sub3A_142 = vector.broadcast %sub3A_141 : i32 to vector<128x128xi32>
    %sub3A_143 = arith.subi %div3A_116, %sub3A_142 : vector<128x128xi32>
    %select_n3A_144 = arith.select %and3A_140, %sub3A_143, %div3A_116 : vector<128x128xi1>, vector<128x128xi32>
    %jit3A_145 = arith.constant 16 : i32
    %div3A_146 = vector.broadcast %jit3A_145 : i32 to vector<128x128xi32>
    %div3A_147 = arith.divsi %iota3A_107, %div3A_146 : vector<128x128xi32>
    %sign3A_148 = arith.constant 0 : i32
    %sign3A_149 = vector.broadcast %sign3A_148 : i32 to vector<128x128xi32>
    %sign3A_150 = arith.cmpi sgt, %iota3A_107, %sign3A_149 : vector<128x128xi32>
    %sign3A_151 = arith.extui %sign3A_150 : vector<128x128xi1> to vector<128x128xi32>
    %sign3A_152 = arith.constant 0 : i32
    %sign3A_153 = vector.broadcast %sign3A_152 : i32 to vector<128x128xi32>
    %sign3A_154 = arith.cmpi slt, %iota3A_107, %sign3A_153 : vector<128x128xi32>
    %sign3A_155 = arith.extui %sign3A_154 : vector<128x128xi1> to vector<128x128xi32>
    %sign3A_156 = arith.subi %sign3A_151, %sign3A_155 : vector<128x128xi32>
    %sign3A_157 = arith.constant 0 : i32
    %sign3A_158 = arith.cmpi sgt, %jit3A_145, %sign3A_157 : i32
    %sign3A_159 = arith.extui %sign3A_158 : i1 to i32
    %sign3A_160 = arith.constant 0 : i32
    %sign3A_161 = arith.cmpi slt, %jit3A_145, %sign3A_160 : i32
    %sign3A_162 = arith.extui %sign3A_161 : i1 to i32
    %sign3A_163 = arith.subi %sign3A_159, %sign3A_162 : i32
    %ne3A_164 = vector.broadcast %sign3A_163 : i32 to vector<128x128xi32>
    %ne3A_165 = arith.cmpi ne, %sign3A_156, %ne3A_164 : vector<128x128xi32>
    %rem3A_166 = vector.broadcast %jit3A_145 : i32 to vector<128x128xi32>
    %rem3A_167 = arith.remsi %iota3A_107, %rem3A_166 : vector<128x128xi32>
    %ne3A_168 = arith.constant 0 : i32
    %ne3A_169 = vector.broadcast %ne3A_168 : i32 to vector<128x128xi32>
    %ne3A_170 = arith.cmpi ne, %rem3A_167, %ne3A_169 : vector<128x128xi32>
    %and3A_171 = arith.andi %ne3A_165, %ne3A_170 : vector<128x128xi1>
    %sub3A_172 = arith.constant 1 : i32
    %sub3A_173 = vector.broadcast %sub3A_172 : i32 to vector<128x128xi32>
    %sub3A_174 = arith.subi %div3A_147, %sub3A_173 : vector<128x128xi32>
    %select_n3A_175 = arith.select %and3A_171, %sub3A_174, %div3A_147 : vector<128x128xi1>, vector<128x128xi32>
    %eq3A_176 = arith.cmpi eq, %select_n3A_144, %select_n3A_175 : vector<128x128xi32>
    %and3A_177 = arith.andi %le3A_113, %eq3A_176 : vector<128x128xi1>
    %convert_element_type3A_178 = arith.extui %and3A_177 : vector<128x128xi1> to vector<128x128xi32>
    %convert_element_type3A_179 = arith.sitofp %convert_element_type3A_178 : vector<128x128xi32> to vector<128x128xf32>
    %dot_general3A_180 = arith.constant dense<0.000000e+00> : vector<1x128xf32>
    %dot_general3A_181 = tpu.matmul %convert_element_type3A_105, %convert_element_type3A_179, %dot_general3A_180 {dimension_numbers = #tpu.dot_dimension_numbers<[1], [0], [0], [1], [0, 0, 1, 1], [], []>, transpose_lhs_hint = false} : vector<1x128xf32>, vector<128x128xf32>, vector<1x128xf32> -> vector<1x128xf32>
    %eq3A_182 = arith.constant 1.000000e+00 : f32
    %eq3A_183 = vector.broadcast %eq3A_182 : f32 to vector<1x128xf32>
    %eq3A_184 = arith.cmpf oeq, %dot_general3A_181, %eq3A_183 : vector<1x128xf32>
    %convert_element_type3A_185 = arith.extui %eq3A_184 : vector<1x128xi1> to vector<1x128xi32>
    %convert_element_type3A_186 = arith.sitofp %convert_element_type3A_185 : vector<1x128xi32> to vector<1x128xf32>
    %mul3A_187 = arith.mulf %convert_element_type3A_105, %convert_element_type3A_186 : vector<1x128xf32>
    %sub3A_188 = arith.subi %convert_element_type3A_60, %mul3A_98 : vector<1x128xi32>
    %jit3A_189 = arith.constant 0 : i32
    %jit3A_190 = arith.constant 256 : i32
    %max3A = vector.broadcast %jit3A_189 : i32 to vector<1x128xi32>
    %max3A_191 = arith.maxsi %max3A, %sub3A_188 : vector<1x128xi32>
    %min3A = vector.broadcast %jit3A_190 : i32 to vector<1x128xi32>
    %min3A_192 = arith.minsi %min3A, %max3A_191 : vector<1x128xi32>
    %convert_element_type3A_193 = arith.sitofp %min3A_192 : vector<1x128xi32> to vector<1x128xf32>
    %sub3A_194 = arith.subi %add3A_63, %mul3A_98 : vector<1x128xi32>
    %jit3A_195 = arith.constant 0 : i32
    %jit3A_196 = arith.constant 256 : i32
    %max3A_197 = vector.broadcast %jit3A_195 : i32 to vector<1x128xi32>
    %max3A_198 = arith.maxsi %max3A_197, %sub3A_194 : vector<1x128xi32>
    %min3A_199 = vector.broadcast %jit3A_196 : i32 to vector<1x128xi32>
    %min3A_200 = arith.minsi %min3A_199, %max3A_198 : vector<1x128xi32>
    %convert_element_type3A_201 = arith.sitofp %min3A_200 : vector<1x128xi32> to vector<1x128xf32>
    %convert_element_type3A_202 = arith.sitofp %select_n3A_91 : vector<1x128xi32> to vector<1x128xf32>
    %convert_element_type3A_203 = arith.sitofp %sub3A_95 : vector<1x128xi32> to vector<1x128xf32>
    %concatenate3A_204 = tpu.concatenate %convert_element_type3A_202, %convert_element_type3A_203, %convert_element_type3A_193, %convert_element_type3A_201, %mul3A_187 in 0 : vector<1x128xf32>, vector<1x128xf32>, vector<1x128xf32>, vector<1x128xf32>, vector<1x128xf32> -> vector<5x128xf32>
    %sub3A_205 = arith.constant 1.000000e+00 : f32
    %sub3A_206 = vector.broadcast %sub3A_205 : f32 to vector<1x128xf32>
    %sub3A_207 = arith.subf %dot_general3A_112, %sub3A_206 : vector<1x128xf32>
    %convert_element_type3A_208 = arith.fptosi %sub3A_207 : vector<1x128xf32> to vector<1x128xi32>
    %iota3A_209 = tpu.iota {dimensions = array<i32: 0>} : vector<32x128xi32>
    %eq3A_210 = vector.broadcast %convert_element_type3A_208 : vector<1x128xi32> to vector<32x128xi32>
    %eq3A_211 = arith.cmpi eq, %iota3A_209, %eq3A_210 : vector<32x128xi32>
    %and3A_212 = vector.broadcast %and3A_103 : vector<1x128xi1> to vector<32x128xi1>
    %and3A_213 = arith.andi %eq3A_211, %and3A_212 : vector<32x128xi1>
    %convert_element_type3A_214 = arith.extui %and3A_213 : vector<32x128xi1> to vector<32x128xi32>
    %convert_element_type3A_215 = arith.sitofp %convert_element_type3A_214 : vector<32x128xi32> to vector<32x128xf32>
    %dot_general3A_216 = arith.constant dense<0.000000e+00> : vector<5x32xf32>
    %dot_general3A_217 = tpu.matmul %concatenate3A_204, %convert_element_type3A_215, %dot_general3A_216 {dimension_numbers = #tpu.dot_dimension_numbers<[1], [1], [0], [0], [0, 0, 1, 0], [], []>, transpose_lhs_hint = false} : vector<5x128xf32>, vector<32x128xf32>, vector<5x32xf32> -> vector<5x32xf32>
    %reduce_sum3A_218 = arith.constant dense<0.000000e+00> : vector<32xf32>
    %reduce_sum3A_219 = vector.multi_reduction <add>, %convert_element_type3A_215, %reduce_sum3A_218 [1] : vector<32x128xf32> to vector<32xf32>
    %broadcast_in_dim3A_220 = vector.shape_cast %reduce_sum3A_219 : vector<32xf32> to vector<32x1xf32>
    %reshape3A_221 = vector.shape_cast %broadcast_in_dim3A_220 : vector<32x1xf32> to vector<1x32xf32>
    %sub3A_222 = arith.constant 1.000000e+00 : f32
    %sub3A_223 = vector.broadcast %sub3A_222 : f32 to vector<1x32xf32>
    %sub3A_224 = arith.subf %sub3A_223, %reshape3A_221 : vector<1x32xf32>
    %slice3A = vector.extract_strided_slice %dot_general3A_217 {offsets = [0, 0], sizes = [1, 32], strides = [1, 1]} : vector<5x32xf32> to vector<1x32xf32>
    %mul3A_225 = arith.constant 7.000000e+00 : f32
    %mul3A_226 = vector.broadcast %mul3A_225 : f32 to vector<1x32xf32>
    %mul3A_227 = arith.mulf %sub3A_224, %mul3A_226 : vector<1x32xf32>
    %add3A_228 = arith.addf %slice3A, %mul3A_227 : vector<1x32xf32>
    %slice3A_229 = vector.extract_strided_slice %dot_general3A_217 {offsets = [1, 0], sizes = [1, 32], strides = [1, 1]} : vector<5x32xf32> to vector<1x32xf32>
    %mul3A_230 = arith.constant 1.500000e+01 : f32
    %mul3A_231 = vector.broadcast %mul3A_230 : f32 to vector<1x32xf32>
    %mul3A_232 = arith.mulf %sub3A_224, %mul3A_231 : vector<1x32xf32>
    %add3A_233 = arith.addf %slice3A_229, %mul3A_232 : vector<1x32xf32>
    %slice3A_234 = vector.extract_strided_slice %dot_general3A_217 {offsets = [2, 0], sizes = [3, 32], strides = [1, 1]} : vector<5x32xf32> to vector<3x32xf32>
    %concatenate3A_235 = tpu.concatenate %add3A_228, %add3A_233, %slice3A_234 in 0 : vector<1x32xf32>, vector<1x32xf32>, vector<3x32xf32> -> vector<5x32xf32>
    %convert_element_type3A_236 = arith.fptosi %concatenate3A_235 : vector<5x32xf32> to vector<5x32xi32>
    %swap3A_237 = arith.constant 0 : index
    %swap3A_238 = arith.constant 0 : index
    %swap3A_239 = vector.load %arg4[%swap3A_237, %swap3A_238] : memref<5x32xi32, #tpu.memory_space<vmem>>, vector<5x32xi32>
    tpu.vector_store %arg4[%swap3A_237, %swap3A_238], %convert_element_type3A_236 {strides = array<i32>} : memref<5x32xi32, #tpu.memory_space<vmem>>, vector<5x32xi32>,
    return
  }
}

</mosaic_0001>

<sc_bundles>
// kernel: kernel.6.cloned.1.call-start
scs
__scs_entry_jumppad:
0x0: {  	(pc) =	sbr.rel $0x88, $3  }
0x1: {  	(tag) =	ssettag $0x0;
	lr =	simm.s32 $0x1  }
0x2: {  	[smem:$0x3F9A] =	sst lr;
	_ =	strace $0xD0000000  }
0x3: {  	_ = 	snop  }
0x4: {  	_ = 	snop  }
0x5: {  	_ = 	snop  }
0x6: {  	_ = 	snop  }
0x7: {  	_ = 	snop  }
__scs_overlays_trampoline_lowered:
0x8: {  	[smem:$0x3FA9] =	sst s0  }
0x9: {  	[smem:$0x3FAA] =	sst s1  }
0xa: {  	[smem:$0x3FAB] =	sst s2  }
0xb: {  	[smem:$0x3FAC] =	sst s3  }
0xc: {  	[smem:$0x3FAD] =	sst s4  }
0xd: {  	[smem:$0x3FAE] =	sst s5  }
0xe: {  	[smem:$0x3FAF] =	sst s6  }
0xf: {  	[smem:$0x3FB0] =	sst s7  }
0x10: {  	[smem:$0x3FB1] =	sst s8  }
0x11: {  	[smem:$0x3FB2] =	sst s9;
	s0 =	simm.s32 @!p0 $0x0  }
0x12: {  	s1 =	sld [smem:$0x3F98];
	s0 =	simm.s32 @p0 $0x1  }
0x13: {  	[smem:$0x3FB3] =	sst s0;
	s0 =	simm.s32 @!p1 $0x0  }
0x14: {  	s2 =	sld [smem:$0x3F97];
	s0 =	simm.s32 @p1 $0x1  }
0x15: {  	[smem:$0x3FB4] =	sst s0;
	s0 =	simm.s32 @!p2 $0x0  }
0x16: {  	s3 =	sld [smem:$0x3FDB];
	s0 =	simm.s32 @p2 $0x1  }
0x17: {  	s4 =	simm.s32 $0x1BF5;
	[smem:$0x3FB6] =	sst s0  }
0x18: {  	s0 =	sld [smem:$0x3F99];
	_ =	swait.ge [sflag:s4], $0x0  }
0x19: {  	s7 =	sld [smem:$0x3F9A]  }
0x1a: {  	s8 =	sadd.s32 $0xFFFFE003, lr  }
0x1b: {  	s9 =	sadd.s32 $0xFFFFFEF7, lr;
	s5 =	simm.s32 $0xFFFFFFFF;
	p2 =	slt.u32 s8, $0xFFFFF086  }
0x1c: {  	p1 =	slt.u32 s9, $0xF7A;
	s5 =	simm.s32 @!p2 $0x0  }
0x1d: {  	s5 =	simm.s32 @p1 $0x1;
	p0 =	seq.s32 s7, s2  }
0x1e: {  	s7 =	smul.u32 @!p0 $0xF7A, s2;
	p2 =	seq.s32 @!p0 s5, $0x0  }
0x1f: {  	s9 =	smul.u32 $0xF7A, s1;
	s8 =	simm.s32 @!p0 $0x1BF5;
	p2 =	por !p2, p0  }
0x20: {  	[sflag:s8] =	ssyncset.s32 @!p0 $0xFFFFF086;
	s6 =	sadd.s32 @!p0 s3, s7;
	s7 =	simm.s32 @!p0 $0x108  }
0x21: {  	s3 =	sadd.s32 s3, s9;
	s6 =	sadd.s32 @!p0 $0x88, s6;
	s7 =	simm.s32 @p2 $0x1082  }
0x22: {  	[simem:s7], [sflag:s8] =	dma.local @!p0 [hbm:s6], $0xF7A  }
0x23: {  	s9 =	sor.u32 $0xD0000000, s2;
	s6 =	simm.s32 $0x108;
	_ =	swait.ge @!p0 [sflag:s8], $0x0  }
0x24: {  	s3 =	sadd.s32 $0x88, s3;
	s6 =	simm.s32 @!p1 $0x1082;
	[sflag:s4] =	ssyncset.s32 $0xFFFFF086  }
0x25: {  	[simem:s6], [sflag:s4] =	dma.local [hbm:s3], $0xF7A  }
0x26: {  	[smem:$0x3F9A] =	sst s1;
	(tag) =	ssettag s2;
	_ =	strace s9  }
0x27: {  	s1 =	sld [smem:$0x3FAA]  }
0x28: {  	s2 =	sld [smem:$0x3FAB]  }
0x29: {  	s4 =	sld [smem:$0x3FAD]  }
0x2a: {  	p0 =	seq.s32 s5, $0x0;
	s5 =	sld [smem:$0x3FAE]  }
0x2b: {  	s6 =	sld [smem:$0x3FAF]  }
0x2c: {  	s7 =	sld [smem:$0x3FB0]  }
0x2d: {  	s3 =	simm.s32 $0x108;
	s8 =	sld [smem:$0x3FB1]  }
0x2e: {  	s3 =	simm.s32 @!p0 $0x1082;
	s9 =	sld [smem:$0x3FB2]  }
0x2f: {  	lr =	sadd.s32 s0, s3;
	s0 =	sld [smem:$0x3FA9]  }
0x30: {  	s3 =	sld [smem:$0x3FAC]  }
0x31: {  	[smem:$0x3FB5] =	sst s10  }
0x32: {  	s10 =	sld [smem:$0x3FB3];
	_ =	sdelay $0x3  }
0x33: {  	p0 =	seq.s32 s10, $0x1;
	s10 =	sld [smem:$0x3FB5];
	_ =	sdelay $0x3  }
0x34: {  	[smem:$0x3FB5] =	sst s10  }
0x35: {  	s10 =	sld [smem:$0x3FB4];
	_ =	sdelay $0x3  }
0x36: {  	p1 =	seq.s32 s10, $0x1;
	s10 =	sld [smem:$0x3FB5];
	_ =	sdelay $0x3  }
0x37: {  	[smem:$0x3FB5] =	sst s10  }
0x38: {  	s10 =	sld [smem:$0x3FB6]  }
0x39: {  	_ = 	snop;
	(pc) =	sbr.ind lr, $3  }
0x3a: {  	_ = 	snop  }
0x3b: {  	_ = 	snop  }
0x3c: {  	p2 =	seq.s32 s10, $0x1;
	s10 =	sld [smem:$0x3FB5]  }
0x3d: {  	_ =	shalt  }
0x3e: {  	_ =	shalt  }
0x3f: {  	_ =	shalt  }
0x40: {  	_ =	shalt  }
0x41: {  	_ =	shalt  }
0x42: {  	_ =	shalt  }
0x43: {  	_ =	shalt  }
0x44: {  	_ =	shalt  }
0x45: {  	_ =	shalt  }
0x46: {  	_ =	shalt  }
0x47: {  	_ =	shalt  }
0x48: {  	_ =	shalt  }
0x49: {  	_ =	shalt  }
0x4a: {  	_ =	shalt  }
0x4b: {  	_ =	shalt  }
0x4c: {  	_ =	shalt  }
0x4d: {  	_ =	shalt  }
0x4e: {  	_ =	shalt  }
0x4f: {  	_ =	shalt  }
0x50: {  	_ =	shalt  }
0x51: {  	_ =	shalt  }
0x52: {  	_ =	shalt  }
0x53: {  	_ =	shalt  }
0x54: {  	_ =	shalt  }
0x55: {  	_ =	shalt  }
0x56: {  	_ =	shalt  }
0x57: {  	_ =	shalt  }
0x58: {  	_ =	shalt  }
0x59: {  	_ =	shalt  }
0x5a: {  	_ =	shalt  }
0x5b: {  	_ =	shalt  }
0x5c: {  	_ =	shalt  }
0x5d: {  	_ =	shalt  }
0x5e: {  	_ =	shalt  }
0x5f: {  	_ =	shalt  }
0x60: {  	_ =	shalt  }
0x61: {  	_ =	shalt  }
0x62: {  	_ =	shalt  }
0x63: {  	_ =	shalt  }
0x64: {  	_ =	shalt  }
0x65: {  	_ =	shalt  }
0x66: {  	_ =	shalt  }
0x67: {  	_ =	shalt  }
0x68: {  	_ =	shalt  }
0x69: {  	_ =	shalt  }
0x6a: {  	_ =	shalt  }
0x6b: {  	_ =	shalt  }
0x6c: {  	_ =	shalt  }
0x6d: {  	_ =	shalt  }
0x6e: {  	_ =	shalt  }
0x6f: {  	_ =	shalt  }
0x70: {  	_ =	shalt  }
0x71: {  	_ =	shalt  }
0x72: {  	_ =	shalt  }
0x73: {  	_ =	shalt  }
0x74: {  	_ =	shalt  }
0x75: {  	_ =	shalt  }
0x76: {  	_ =	shalt  }
0x77: {  	_ =	shalt  }
0x78: {  	_ =	shalt  }
0x79: {  	_ =	shalt  }
0x7a: {  	_ =	shalt  }
0x7b: {  	_ =	shalt  }
0x7c: {  	_ =	shalt  }
0x7d: {  	_ =	shalt  }
0x7e: {  	_ =	shalt  }
0x7f: {  	_ =	shalt  }
0x80: {  	_ =	shalt  }
0x81: {  	_ =	shalt  }
0x82: {  	_ =	shalt  }
0x83: {  	_ =	shalt  }
0x84: {  	_ =	shalt  }
0x85: {  	_ =	shalt  }
0x86: {  	_ =	shalt  }
0x87: {  	_ =	shalt  }
.Lfunc_end0:
.L_simem_size_0:
called_computation_lowered:
.L_overlay_start_0:
0x88: {  	s2 =	sld [smem:$0x3FD9]  }
0x89: {  	s3 =	sld [smem:$0x3FFE];
	_ =	sdelay $0x1  }
0x8a: {  	s1 =	srdreg.scid  }
0x8b: {  	s0 =	sand.u32 $0x1, s1  }
0x8c: {  	s14 =	sshll.u32 s0, $0xA;
	s2 =	sadd.s32 s3, s2  }
0x8d: {  	s2 =	sadd.s32 s2, s14  }
0x8e: {  	[smem:$0x3FC1] =	sst s2  }
0x8f: {  	_ = 	snop  }
0x90: {  	s2 =	sld [smem:$0x3FD0];
	_ =	sdelay $0x2  }
0x91: {  	s4 =	simm.s32 $0xA;
	s5 =	simm.s32 $0x10;
	s15 =	sld [smem:$0x3FC9]  }
0x92: {  	[smem:s5], [sflag:s4] =	dma.local [hbm:s2], $0x1  }
0x93: {  	_ =	swait.eq [sflag:s4], $0x1  }
0x94: {  	[sflag:s4] =	ssyncset.done $0x0  }
0x95: {  	[sflag:s4] =	ssyncadd.s32 $0xFFFFFFFF  }
0x96: {  	s16 =	sld [smem:$0x10];
	(tm) =	ssettm $0x1  }
0x97: {  	s17 =	sld [smem:$0x3FFB];
	_ =	sdelay $0x3  }
0x98: {  	_ =	strace s17  }
0x99: {  	s4 =	sld [smem:$0x3FFC];
	_ =	sdelay $0x3  }
0x9a: {  	_ =	strace s4  }
0x9b: {  	s4 =	sld [smem:$0x3FFD];
	_ =	sdelay $0x3  }
0x9c: {  	_ =	strace s4  }
0x9d: {  	_ =	strace $0x8FFFFFFF  }
0x9e: {  	s18 =	sld [smem:$0x3FDB];
	_ =	sdelay $0x1  }
0x9f: {  	s19 =	simm.s32 $_scs_section_size  }
0xa0: {  	s6 =	simm.s32 $_size__tile_overlayer_lowered;
	s7 =	simm.s32 $_tile_overlayer_lowered  }
0xa1: {  	s22 =	simm.s32 $0x1BFF;
	s21 =	sshll.u32 s7, $0x1;
	s4 =	sadd.s32 s19, s18  }
0xa2: {  	s8 =	simm.s32 $0x0;
	s20 =	sshll.u32 s6, $0x1;
	s6 =	sadd.s32 s21, s4  }
0xa3: {  	[timem:s8], [sflag:s22] =	dma.local [hbm:s6], s20  }
0xa4: {  	_ =	swait.ge [sflag:s22], s20  }
0xa5: {  	s5 =	ssub.s32 $0x0, s20;
	[sflag:s22] =	ssyncset.done $0x0  }
0xa6: {  	[sflag:s22] =	ssyncadd.s32 s5;
	_ =	sdelay $0x1  }
0xa7: {  	s23 =	simm.s32 $0x1B8B  }
0xa8: {  	_ =	swait.ge [sflag:s23], $0x1  }
0xa9: {  	[sflag:s23] =	ssyncset.done $0x0  }
0xaa: {  	s25 =	simm.s32 $0x1B8E;
	s24 =	sld [smem:$0x3FFE];
	[sflag:s23] =	ssyncadd.s32 $0xFFFFFFFF  }
0xab: {  	s26 =	simm.s32 $execute0_lowered;
	[smem:$0x3FD2] =	sst s25  }
0xac: {  	s6 =	sshll.u32 s26, $0x1;
	_ =	strace $0x80000046;
	[dreg:$0x1] =	wrdreg $0xFFFFFFFF  }
0xad: {  	s28 =	simm.s32 $_size_execute0_lowered;
	s4 =	sadd.s32 s4, s6;
	[dreg:$0x0] =	wrdreg $0x0  }
0xae: {  	s6 =	sshll.u32 s28, $0x1;
	[dreg:$0x2] =	wrdreg s4  }
0xaf: {  	[dreg:$0x3] =	wrdreg s6  }
0xb0: {  	[dreg:$0x4] =	wrdreg $0xC0  }
0xb1: {  	_ =	task [dreg:s8], $0x5FFFF  }
0xb2: {  	[dreg:$0x1] =	wrdreg $0xFFFFFFFF  }
0xb3: {  	[dreg:$0x0] =	wrdreg $0x60  }
0xb4: {  	[dreg:$0x2] =	wrdreg s15  }
0xb5: {  	[dreg:$0x3] =	wrdreg s24  }
0xb6: {  	[dreg:$0x4] =	wrdreg s16  }
0xb7: {  	[dreg:$0x5] =	wrdreg $0x9  }
0xb8: {  	_ =	task.clear_ibuf [dreg:s8], $0x6FFFF;
	_ =	strace $0x90000046  }
0xb9: {  	s29 =	simm.s32 $0x9;
	_ =	strace $0x80000048  }
0xba: {  	_ =	swait.ge [sflag:s29], $0x1  }
0xbb: {  	[sflag:s29] =	ssyncadd.s32 $0xFFFFFFFF  }
0xbc: {  	_ =	strace $0x90000048  }
0xbd: {  	_ =	sfence  }
0xbe: {  	s30 =	sld [smem:$0x0];
	_ =	sdelay $0x2  }
0xbf: {  	s31 =	sshll.u32 s1, $0xD;
	s1 =	sshrl.u32 s1, $0x2  }
0xc0: {  	s3 =	sand.u32 $0x4000, s31;
	s1 =	sadd.s32 s1, s30  }
0xc1: {  	s0 =	sor.u32 s3, s0;
	s1 =	sshll.u32 s1, $0x11  }
0xc2: {  	s0 =	sor.u32 s1, s0  }
0xc3: {  	s0 =	sadd.s32 $0x8F2B, s0  }
0xc4: {  	[sflag:s0] =	ssyncadd.remote.s32 $0x1  }
0xc5: {  	_ =	sfence.sel $0xFFFF  }
0xc6: {  	[dreg:$0x0] =	wrdreg $0xFFFFFFFF;
	(pc) =	sbr.abs _section_cstart, $3  }
0xc7: {  	[dreg:$0x1] =	wrdreg $0xFFFFFFFF  }
0xc8: {  	_ =	task.clear_ibuf [dreg:s8], $0x2FFFF;
	_ =	strace $0x9FFFFFFF  }
0xc9: {  	(tm) =	ssettm $0x7FFFFFFF  }
tec
execute0_lowered:
.L_overlay_start_1:
0x0: {  	(tag) =	ssettag $0x1  }
0x1: {  	s0 =	rddreg [dreg:$0x0]  }
0x2: {  	s4 =	rddreg [dreg:$0x1]  }
0x3: {  	s2 =	rddreg [dreg:$0x2];
	s5 =	srdreg.scid;
	s3 =	simm.s32 $0x0  }
0x4: {  	s1 =	stileid.u32;
	s23 =	simm.s32 $0x80;
	s24 =	simm.s32 $0x900  }
0x5: {  	s25 =	simm.s32 $0x1100;
	s26 =	simm.s32 $0x1900;
	s9 =	simm.s32 $0x6100  }
0x6: {  	s10 =	simm.s32 $0x1;
	s12 =	simm.s32 $0x2900;
	s13 =	simm.s32 $0x3100  }
0x7: {  	s14 =	simm.s32 $0x3900;
	s15 =	simm.s32 $0x4100;
	s16 =	simm.s32 $0x4900  }
0x8: {  	s17 =	simm.s32 $0x5100;
	s18 =	simm.s32 $0x5900;
	s19 =	simm.s32 $0x2  }
0x9: {  	s28 =	simm.s32 $0xA100;
	s29 =	simm.s32 $0xA900;
	[smem:$0x7FF] =	sst s3  }
0xa: {  	s30 =	simm.s32 $0xB100;
	_ =	strace $0x80000047;
	[dreg:$0x8] =	wrdreg s23  }
0xb: {  	s31 =	simm.s32 $0xB900;
	s5 =	sand.u32 $0x1, s5;
	[dreg:$0x9] =	wrdreg s24  }
0xc: {  	s6 =	sshll.u32 s1, $0x4;
	s4 =	sadd.s32 $0x1A00, s4;
	[dreg:$0xa] =	wrdreg s25  }
0xd: {  	s7 =	sshll.u32 s5, $0x3;
	s5 =	ssub.s32 $0x2, s5;
	[dreg:$0xb] =	wrdreg s26  }
0xe: {  	s23 =	simm.s32 $0x8100;
	s24 =	simm.s32 $0x8900;
	s25 =	simm.s32 $0x9100  }
0xf: {  	s26 =	simm.s32 $0x9900;
	s6 =	sor.u32 s7, s6;
	s22 =	sshrl.u32 s5, $0x1  }
0x10: {  	s7 =	sadd.s32 s4, s6;
	s8 =	sor.u32 $0x4, s6;
	s6 =	smul.u32 $0x300, s6  }
0x11: {  	[dreg:$0x4] =	wrdreg s7;
	s4 =	sadd.s32 s4, s8;
	s20 =	smul.u32 $0x300, s8  }
0x12: {  	s7 =	simm.s32 $0x4;
	s8 =	simm.s32 $0x100;
	[dreg:$0x5] =	wrdreg s4  }
0x13: {  	s21 =	sadd.s32 s0, s6;
	s6 =	ssub.s32 s5, s22;
	s4 =	sadd.s32 $0x100, s2  }
0x14: {  	v2 =	vlaneseq.u32;
	s5 =	sadd.s32 $0x200, s2;
	s22 =	simm.s32 $0x7900;
	[dreg:$0x6] =	wrdreg s21  }
0x15: {  	vm0 =	vmmov $0xffff;
	v1 =	vshrl.u32 v2, $0x3;
	s0 =	sadd.s32 s0, s20;
	s6 =	smax.u32 s6, $0x1;
	s20 =	simm.s32 $0x6900  }
0x16: {  	v0 =	vand.u32 $0x7, v2;
	v2 =	vor.u32 $0x8, v2;
	v1 =	vmul.u32 $0x8, v1;
	s21 =	simm.s32 $0x7100;
	[dreg:$0x7] =	wrdreg s0;
	s0 =	simm.s32 $0x3  }
.LBB2_1:
0x17: {  	s1 =	rddreg [dreg:$0x4]  }
0x18: {  	[tilespmem:s3], [sflag:$0x4] =	stream.linear.gather [hbm4b:s1+s3], $0x20, $0x38;
	[tilespmem:$0xC100] =	vst v63  }
0x19: {  	_ =	swait.ge [sflag:s7], $0x20  }
0x1a: {  	s1 =	rddreg [dreg:$0x5];
	[sflag:s7] =	ssyncset.done $0x0  }
0x1b: {  	s11 =	rddreg [dreg:$0x8];
	[sflag:s7] =	ssyncadd.s32 $0xFFFFFFE0  }
0x1c: {  	[tilespmem:s11], [sflag:$0x4] =	stream.linear.gather [hbm4b:s1+s3], $0x20, $0x38;
	[tilespmem:$0xC100] =	vst v63  }
0x1d: {  	_ =	swait.ge [sflag:s7], $0x20  }
0x1e: {  	[sflag:s7] =	ssyncset.done $0x0  }
0x1f: {  	s1 =	rddreg [dreg:$0x6];
	[sflag:s7] =	ssyncadd.s32 $0xFFFFFFE0  }
0x20: {  	[tilespmem:s8], [sflag:$0x1] =	stream.linear.gather [hbm4b:s1+s3], $0x6000, $0x38;
	[tilespmem:$0xC100] =	vst v63  }
0x21: {  	s11 =	rddreg [dreg:$0x7]  }
0x22: {  	[tilespmem:s9], [sflag:$0x2] =	stream.linear.gather [hbm4b:s11+s3], $0x6000, $0x38;
	[tilespmem:$0xC100] =	vst v63  }
0x23: {  	_ =	swait.ge [sflag:s10], $0x6000  }
0x24: {  	[sflag:s10] =	ssyncset.done $0x0  }
0x25: {  	[sflag:s10] =	ssyncadd.s32 $0xFFFFA000  }
0x26: {  	v3 =	vld [tilespmem:$0x0];
	_ =	sdelay $0x4  }
0x27: {  	v4 =	vshrl.u32 v3, $0x3  }
0x28: {  	v4 =	vmul.u32 $0x30, v4  }
0x29: {  	v3 =	vand.u32 $0x7, v3  }
0x2a: {  	v3 =	vor.u32 v3, v4  }
0x2b: {  	v4 =	vperm.xlane v3, v0;
	_ =	sdelay $0x1  }
0x2c: {  	v4 =	vadd.s32 v1, v4;
	_ =	sdelay $0x3  }
0x2d: {  	v3 =	vperm.xlane v3, v2  }
0x2e: {  	[hbm4b:s2+s3] =	stream.indirect_vreg.scatter [tilespmem:s8], [sflag:$0x3], $0x80, v4, vm0, $0xb8;
	[tilespmem:$0xC100] =	vst v63  }
0x2f: {  	s1 =	rddreg [dreg:$0x9];
	v3 =	vadd.s32 v1, v3  }
0x30: {  	[hbm4b:s4+s3] =	stream.indirect_vreg.scatter [tilespmem:s1], [sflag:$0x3], $0x80, v4, vm0, $0xb8;
	[tilespmem:$0xC100] =	vst v63  }
0x31: {  	s11 =	rddreg [dreg:$0xa]  }
0x32: {  	[hbm4b:s5+s3] =	stream.indirect_vreg.scatter [tilespmem:s11], [sflag:$0x3], $0x80, v4, vm0, $0xb8;
	[tilespmem:$0xC100] =	vst v63  }
0x33: {  	s1 =	rddreg [dreg:$0xb]  }
0x34: {  	[hbm4b:s2+s3] =	stream.indirect_vreg.scatter [tilespmem:s1], [sflag:$0x3], $0x80, v3, vm0, $0xb8;
	[tilespmem:$0xC100] =	vst v63  }
0x35: {  	s11 =	simm.s32 $0x2100  }
0x36: {  	[hbm4b:s4+s3] =	stream.indirect_vreg.scatter [tilespmem:s11], [sflag:$0x3], $0x80, v3, vm0, $0xb8;
	[tilespmem:$0xC100] =	vst v63  }
0x37: {  	_ = 	snop  }
0x38: {  	[hbm4b:s5+s3] =	stream.indirect_vreg.scatter [tilespmem:s12], [sflag:$0x3], $0x80, v3, vm0, $0xb8;
	[tilespmem:$0xC100] =	vst v63  }
0x39: {  	v3 =	vld [tilespmem:$0x10];
	_ =	sdelay $0x4  }
0x3a: {  	v61 =	vshrl.u32 v3, $0x3  }
0x3b: {  	v4 =	vmul.u32 $0x30, v61  }
0x3c: {  	v3 =	vand.u32 $0x7, v3  }
0x3d: {  	v3 =	vor.u32 v3, v4  }
0x3e: {  	v4 =	vperm.xlane v3, v0;
	_ =	sdelay $0x1  }
0x3f: {  	v4 =	vadd.s32 v1, v4;
	_ =	sdelay $0x3  }
0x40: {  	v3 =	vperm.xlane v3, v2  }
0x41: {  	[hbm4b:s2+s3] =	stream.indirect_vreg.scatter [tilespmem:s13], [sflag:$0x3], $0x80, v4, vm0, $0xb8;
	[tilespmem:$0xC100] =	vst v63  }
0x42: {  	v3 =	vadd.s32 v1, v3  }
0x43: {  	[hbm4b:s4+s3] =	stream.indirect_vreg.scatter [tilespmem:s14], [sflag:$0x3], $0x80, v4, vm0, $0xb8;
	[tilespmem:$0xC100] =	vst v63  }
0x44: {  	_ = 	snop  }
0x45: {  	[hbm4b:s5+s3] =	stream.indirect_vreg.scatter [tilespmem:s15], [sflag:$0x3], $0x80, v4, vm0, $0xb8;
	[tilespmem:$0xC100] =	vst v63  }
0x46: {  	_ = 	snop  }
0x47: {  	[hbm4b:s2+s3] =	stream.indirect_vreg.scatter [tilespmem:s16], [sflag:$0x3], $0x80, v3, vm0, $0xb8;
	[tilespmem:$0xC100] =	vst v63  }
0x48: {  	_ = 	snop  }
0x49: {  	[hbm4b:s4+s3] =	stream.indirect_vreg.scatter [tilespmem:s17], [sflag:$0x3], $0x80, v3, vm0, $0xb8;
	[tilespmem:$0xC100] =	vst v63  }
0x4a: {  	_ = 	snop  }
0x4b: {  	[hbm4b:s5+s3] =	stream.indirect_vreg.scatter [tilespmem:s18], [sflag:$0x3], $0x80, v3, vm0, $0xb8;
	[tilespmem:$0xC100] =	vst v63  }
0x4c: {  	_ =	swait.ge [sflag:s19], $0x6000  }
0x4d: {  	[sflag:s19] =	ssyncset.done $0x0  }
0x4e: {  	[sflag:s19] =	ssyncadd.s32 $0xFFFFA000  }
0x4f: {  	v3 =	vld [tilespmem:$0x80];
	_ =	sdelay $0x4  }
0x50: {  	v62 =	vshrl.u32 v3, $0x3  }
0x51: {  	v4 =	vmul.u32 $0x30, v62  }
0x52: {  	v3 =	vand.u32 $0x7, v3  }
0x53: {  	v3 =	vor.u32 v3, v4  }
0x54: {  	v4 =	vperm.xlane v3, v0;
	_ =	sdelay $0x1  }
0x55: {  	v4 =	vadd.s32 v1, v4;
	_ =	sdelay $0x3  }
0x56: {  	v3 =	vperm.xlane v3, v2  }
0x57: {  	[hbm4b:s2+s3] =	stream.indirect_vreg.scatter [tilespmem:s9], [sflag:$0x1], $0x80, v4, vm0, $0xb8;
	[tilespmem:$0xC100] =	vst v63  }
0x58: {  	v3 =	vadd.s32 v1, v3  }
0x59: {  	[hbm4b:s4+s3] =	stream.indirect_vreg.scatter [tilespmem:s20], [sflag:$0x1], $0x80, v4, vm0, $0xb8;
	[tilespmem:$0xC100] =	vst v63  }
0x5a: {  	_ = 	snop  }
0x5b: {  	[hbm4b:s5+s3] =	stream.indirect_vreg.scatter [tilespmem:s21], [sflag:$0x1], $0x80, v4, vm0, $0xb8;
	[tilespmem:$0xC100] =	vst v63  }
0x5c: {  	_ = 	snop  }
0x5d: {  	[hbm4b:s2+s3] =	stream.indirect_vreg.scatter [tilespmem:s22], [sflag:$0x1], $0x80, v3, vm0, $0xb8;
	[tilespmem:$0xC100] =	vst v63  }
0x5e: {  	_ = 	snop  }
0x5f: {  	[hbm4b:s4+s3] =	stream.indirect_vreg.scatter [tilespmem:s23], [sflag:$0x1], $0x80, v3, vm0, $0xb8;
	[tilespmem:$0xC100] =	vst v63  }
0x60: {  	_ = 	snop  }
0x61: {  	[hbm4b:s5+s3] =	stream.indirect_vreg.scatter [tilespmem:s24], [sflag:$0x1], $0x80, v3, vm0, $0xb8;
	[tilespmem:$0xC100] =	vst v63  }
0x62: {  	v3 =	vld [tilespmem:$0x90];
	_ =	sdelay $0x4  }
0x63: {  	v63 =	vshrl.u32 v3, $0x3  }
0x64: {  	v4 =	vmul.u32 $0x30, v63  }
0x65: {  	v3 =	vand.u32 $0x7, v3  }
0x66: {  	v3 =	vor.u32 v3, v4  }
0x67: {  	v4 =	vperm.xlane v3, v0;
	_ =	sdelay $0x1  }
0x68: {  	v4 =	vadd.s32 v1, v4;
	_ =	sdelay $0x3  }
0x69: {  	v3 =	vperm.xlane v3, v2  }
0x6a: {  	[hbm4b:s2+s3] =	stream.indirect_vreg.scatter [tilespmem:s25], [sflag:$0x1], $0x80, v4, vm0, $0xb8;
	[tilespmem:$0xC100] =	vst v63  }
0x6b: {  	v3 =	vadd.s32 v1, v3  }
0x6c: {  	[hbm4b:s4+s3] =	stream.indirect_vreg.scatter [tilespmem:s26], [sflag:$0x1], $0x80, v4, vm0, $0xb8;
	[tilespmem:$0xC100] =	vst v63  }
0x6d: {  	_ = 	snop  }
0x6e: {  	[hbm4b:s5+s3] =	stream.indirect_vreg.scatter [tilespmem:s28], [sflag:$0x1], $0x80, v4, vm0, $0xb8;
	[tilespmem:$0xC100] =	vst v63  }
0x6f: {  	_ = 	snop  }
0x70: {  	[hbm4b:s2+s3] =	stream.indirect_vreg.scatter [tilespmem:s29], [sflag:$0x1], $0x80, v3, vm0, $0xb8;
	[tilespmem:$0xC100] =	vst v63  }
0x71: {  	_ = 	snop  }
0x72: {  	[hbm4b:s4+s3] =	stream.indirect_vreg.scatter [tilespmem:s30], [sflag:$0x1], $0x80, v3, vm0, $0xb8;
	[tilespmem:$0xC100] =	vst v63  }
0x73: {  	_ = 	snop  }
0x74: {  	[hbm4b:s5+s3] =	stream.indirect_vreg.scatter [tilespmem:s31], [sflag:$0x1], $0x80, v3, vm0, $0xb8;
	[tilespmem:$0xC100] =	vst v63  }
0x75: {  	p0 =	sne.s32 s6, $0x1;
	_ =	swait.ge [sflag:s0], $0x6000  }
.Ltmp0:
0x76: {  	[sflag:s0] =	ssyncset.done $0x0;
	(pc) =	sbr.rel @p0 .LBB2_1-.Ltmp0, $4  }
0x77: {  	[sflag:s0] =	ssyncadd.s32 $0xFFFFA000  }
0x78: {  	_ =	swait.ge [sflag:s10], $0x6000  }
0x79: {  	[sflag:s10] =	ssyncset.done $0x0  }
0x7a: {  	s6 =	sadd.s32 $0xFFFFFFFF, s6;
	[sflag:s10] =	ssyncadd.s32 $0xFFFFA000  }
0x7b: {  	_ =	sfence.sel $0x180000  }
0x7c: {  	[bflag:$0x0] =	sbarrier.arrive $0xFFFF  }
0x7d: {  	_ =	strace $0x90000047  }
0x7e: {  	s0 =	stileid.u32;
	[bflag:$0x2] =	sbarrier.arrive $0xFFFF  }
0x7f: {  	p0 =	sne.s32 s0, $0x0;
	s0 =	rddreg [dreg:$0x3]  }
0x80: {  	s0 =	sadd.s32 @!p0 $0x100000, s0  }
0x81: {  	[sflag:s0] =	ssyncadd.tile.s32 @!p0 $0x1;
	_ =	shalt  }
.Lfunc_end2:
_tile_overlayer_lowered:
.L_overlay_start_2:
0x82: {  	(tag) =	ssettag $0x2  }
0x83: {  	s0 =	rddreg [dreg:$0x0];
	s2 =	stileid.u32  }
0x84: {  	s1 =	rddreg [dreg:$0x1];
	p0 =	sne.s32 s2, $0x0  }
0x85: {  	s3 =	rddreg [dreg:$0x2];
	[bflag:$0x3] =	sbarrier.arrive $0xFFFF;
	s2 =	simm.s32 @!p0 $0x1C04  }
0x86: {  	[timem:s3], [sflag:s2] =	dma.local @!p0 [hbm:s0], s1  }
0x87: {  	s0 =	simm.s32 @!p0 $0x4  }
0x88: {  	_ =	swait.ge @!p0 [sflag:s0], s1  }
0x89: {  	s1 =	ssub.s32 @!p0 $0x0, s1;
	[sflag:s0] =	ssyncset.done @!p0 $0x0  }
0x8a: {  	[sflag:s0] =	ssyncadd.s32 @!p0 s1  }
0x8b: {  	[bflag:$0x3] =	sbarrier.arrive $0xFFFF  }
0x8c: {  	_ =	shalt  }

// kernel: kernel.9.cloned.1.call-start
scs
__scs_entry_jumppad:
0x0: {  	(pc) =	sbr.rel $0x88, $3  }
0x1: {  	(tag) =	ssettag $0x0;
	lr =	simm.s32 $0x1  }
0x2: {  	[smem:$0x3F9A] =	sst lr;
	_ =	strace $0xD0000000  }
0x3: {  	_ = 	snop  }
0x4: {  	_ = 	snop  }
0x5: {  	_ = 	snop  }
0x6: {  	_ = 	snop  }
0x7: {  	_ = 	snop  }
__scs_overlays_trampoline_lowered:
0x8: {  	[smem:$0x3FA9] =	sst s0  }
0x9: {  	[smem:$0x3FAA] =	sst s1  }
0xa: {  	[smem:$0x3FAB] =	sst s2  }
0xb: {  	[smem:$0x3FAC] =	sst s3  }
0xc: {  	[smem:$0x3FAD] =	sst s4  }
0xd: {  	[smem:$0x3FAE] =	sst s5  }
0xe: {  	[smem:$0x3FAF] =	sst s6  }
0xf: {  	[smem:$0x3FB0] =	sst s7  }
0x10: {  	[smem:$0x3FB1] =	sst s8  }
0x11: {  	[smem:$0x3FB2] =	sst s9;
	s0 =	simm.s32 @!p0 $0x0  }
0x12: {  	s1 =	sld [smem:$0x3F98];
	s0 =	simm.s32 @p0 $0x1  }
0x13: {  	[smem:$0x3FB3] =	sst s0;
	s0 =	simm.s32 @!p1 $0x0  }
0x14: {  	s2 =	sld [smem:$0x3F97];
	s0 =	simm.s32 @p1 $0x1  }
0x15: {  	[smem:$0x3FB4] =	sst s0;
	s0 =	simm.s32 @!p2 $0x0  }
0x16: {  	s3 =	sld [smem:$0x3FDB];
	s0 =	simm.s32 @p2 $0x1  }
0x17: {  	s4 =	simm.s32 $0x1BF5;
	[smem:$0x3FB6] =	sst s0  }
0x18: {  	s0 =	sld [smem:$0x3F99];
	_ =	swait.ge [sflag:s4], $0x0  }
0x19: {  	s7 =	sld [smem:$0x3F9A]  }
0x1a: {  	s8 =	sadd.s32 $0xFFFFE003, lr  }
0x1b: {  	s9 =	sadd.s32 $0xFFFFFEF7, lr;
	s5 =	simm.s32 $0xFFFFFFFF;
	p2 =	slt.u32 s8, $0xFFFFF086  }
0x1c: {  	p1 =	slt.u32 s9, $0xF7A;
	s5 =	simm.s32 @!p2 $0x0  }
0x1d: {  	s5 =	simm.s32 @p1 $0x1;
	p0 =	seq.s32 s7, s2  }
0x1e: {  	s7 =	smul.u32 @!p0 $0xF7A, s2;
	p2 =	seq.s32 @!p0 s5, $0x0  }
0x1f: {  	s9 =	smul.u32 $0xF7A, s1;
	s8 =	simm.s32 @!p0 $0x1BF5;
	p2 =	por !p2, p0  }
0x20: {  	[sflag:s8] =	ssyncset.s32 @!p0 $0xFFFFF086;
	s6 =	sadd.s32 @!p0 s3, s7;
	s7 =	simm.s32 @!p0 $0x108  }
0x21: {  	s3 =	sadd.s32 s3, s9;
	s6 =	sadd.s32 @!p0 $0x88, s6;
	s7 =	simm.s32 @p2 $0x1082  }
0x22: {  	[simem:s7], [sflag:s8] =	dma.local @!p0 [hbm:s6], $0xF7A  }
0x23: {  	s9 =	sor.u32 $0xD0000000, s2;
	s6 =	simm.s32 $0x108;
	_ =	swait.ge @!p0 [sflag:s8], $0x0  }
0x24: {  	s3 =	sadd.s32 $0x88, s3;
	s6 =	simm.s32 @!p1 $0x1082;
	[sflag:s4] =	ssyncset.s32 $0xFFFFF086  }
0x25: {  	[simem:s6], [sflag:s4] =	dma.local [hbm:s3], $0xF7A  }
0x26: {  	[smem:$0x3F9A] =	sst s1;
	(tag) =	ssettag s2;
	_ =	strace s9  }
0x27: {  	s1 =	sld [smem:$0x3FAA]  }
0x28: {  	s2 =	sld [smem:$0x3FAB]  }
0x29: {  	s4 =	sld [smem:$0x3FAD]  }
0x2a: {  	p0 =	seq.s32 s5, $0x0;
	s5 =	sld [smem:$0x3FAE]  }
0x2b: {  	s6 =	sld [smem:$0x3FAF]  }
0x2c: {  	s7 =	sld [smem:$0x3FB0]  }
0x2d: {  	s3 =	simm.s32 $0x108;
	s8 =	sld [smem:$0x3FB1]  }
0x2e: {  	s3 =	simm.s32 @!p0 $0x1082;
	s9 =	sld [smem:$0x3FB2]  }
0x2f: {  	lr =	sadd.s32 s0, s3;
	s0 =	sld [smem:$0x3FA9]  }
0x30: {  	s3 =	sld [smem:$0x3FAC]  }
0x31: {  	[smem:$0x3FB5] =	sst s10  }
0x32: {  	s10 =	sld [smem:$0x3FB3];
	_ =	sdelay $0x3  }
0x33: {  	p0 =	seq.s32 s10, $0x1;
	s10 =	sld [smem:$0x3FB5];
	_ =	sdelay $0x3  }
0x34: {  	[smem:$0x3FB5] =	sst s10  }
0x35: {  	s10 =	sld [smem:$0x3FB4];
	_ =	sdelay $0x3  }
0x36: {  	p1 =	seq.s32 s10, $0x1;
	s10 =	sld [smem:$0x3FB5];
	_ =	sdelay $0x3  }
0x37: {  	[smem:$0x3FB5] =	sst s10  }
0x38: {  	s10 =	sld [smem:$0x3FB6]  }
0x39: {  	_ = 	snop;
	(pc) =	sbr.ind lr, $3  }
0x3a: {  	_ = 	snop  }
0x3b: {  	_ = 	snop  }
0x3c: {  	p2 =	seq.s32 s10, $0x1;
	s10 =	sld [smem:$0x3FB5]  }
0x3d: {  	_ =	shalt  }
0x3e: {  	_ =	shalt  }
0x3f: {  	_ =	shalt  }
0x40: {  	_ =	shalt  }
0x41: {  	_ =	shalt  }
0x42: {  	_ =	shalt  }
0x43: {  	_ =	shalt  }
0x44: {  	_ =	shalt  }
0x45: {  	_ =	shalt  }
0x46: {  	_ =	shalt  }
0x47: {  	_ =	shalt  }
0x48: {  	_ =	shalt  }
0x49: {  	_ =	shalt  }
0x4a: {  	_ =	shalt  }
0x4b: {  	_ =	shalt  }
0x4c: {  	_ =	shalt  }
0x4d: {  	_ =	shalt  }
0x4e: {  	_ =	shalt  }
0x4f: {  	_ =	shalt  }
0x50: {  	_ =	shalt  }
0x51: {  	_ =	shalt  }
0x52: {  	_ =	shalt  }
0x53: {  	_ =	shalt  }
0x54: {  	_ =	shalt  }
0x55: {  	_ =	shalt  }
0x56: {  	_ =	shalt  }
0x57: {  	_ =	shalt  }
0x58: {  	_ =	shalt  }
0x59: {  	_ =	shalt  }
0x5a: {  	_ =	shalt  }
0x5b: {  	_ =	shalt  }
0x5c: {  	_ =	shalt  }
0x5d: {  	_ =	shalt  }
0x5e: {  	_ =	shalt  }
0x5f: {  	_ =	shalt  }
0x60: {  	_ =	shalt  }
0x61: {  	_ =	shalt  }
0x62: {  	_ =	shalt  }
0x63: {  	_ =	shalt  }
0x64: {  	_ =	shalt  }
0x65: {  	_ =	shalt  }
0x66: {  	_ =	shalt  }
0x67: {  	_ =	shalt  }
0x68: {  	_ =	shalt  }
0x69: {  	_ =	shalt  }
0x6a: {  	_ =	shalt  }
0x6b: {  	_ =	shalt  }
0x6c: {  	_ =	shalt  }
0x6d: {  	_ =	shalt  }
0x6e: {  	_ =	shalt  }
0x6f: {  	_ =	shalt  }
0x70: {  	_ =	shalt  }
0x71: {  	_ =	shalt  }
0x72: {  	_ =	shalt  }
0x73: {  	_ =	shalt  }
0x74: {  	_ =	shalt  }
0x75: {  	_ =	shalt  }
0x76: {  	_ =	shalt  }
0x77: {  	_ =	shalt  }
0x78: {  	_ =	shalt  }
0x79: {  	_ =	shalt  }
0x7a: {  	_ =	shalt  }
0x7b: {  	_ =	shalt  }
0x7c: {  	_ =	shalt  }
0x7d: {  	_ =	shalt  }
0x7e: {  	_ =	shalt  }
0x7f: {  	_ =	shalt  }
0x80: {  	_ =	shalt  }
0x81: {  	_ =	shalt  }
0x82: {  	_ =	shalt  }
0x83: {  	_ =	shalt  }
0x84: {  	_ =	shalt  }
0x85: {  	_ =	shalt  }
0x86: {  	_ =	shalt  }
0x87: {  	_ =	shalt  }
.Lfunc_end0:
.L_simem_size_0:
called_computation.1_lowered:
.L_overlay_start_0:
0x88: {  	s2 =	sld [smem:$0x3FD9]  }
0x89: {  	s3 =	sld [smem:$0x3FFE];
	_ =	sdelay $0x1  }
0x8a: {  	s1 =	srdreg.scid  }
0x8b: {  	s0 =	sand.u32 $0x1, s1  }
0x8c: {  	s14 =	sshll.u32 s0, $0xA;
	s2 =	sadd.s32 s3, s2  }
0x8d: {  	s2 =	sadd.s32 s2, s14  }
0x8e: {  	[smem:$0x3FC1] =	sst s2  }
0x8f: {  	_ = 	snop  }
0x90: {  	s2 =	sld [smem:$0x3FD0];
	_ =	sdelay $0x2  }
0x91: {  	s15 =	simm.s32 $0xA;
	s4 =	simm.s32 $0x10  }
0x92: {  	[smem:s4], [sflag:s15] =	dma.local [hbm:s2], $0x1  }
0x93: {  	_ =	swait.eq [sflag:s15], $0x1  }
0x94: {  	[sflag:s15] =	ssyncset.done $0x0  }
0x95: {  	[sflag:s15] =	ssyncadd.s32 $0xFFFFFFFF  }
0x96: {  	s16 =	sld [smem:$0x10];
	(tm) =	ssettm $0x1  }
0x97: {  	s17 =	sld [smem:$0x3FFB];
	_ =	sdelay $0x3  }
0x98: {  	_ =	strace s17  }
0x99: {  	s3 =	sld [smem:$0x3FFC];
	_ =	sdelay $0x3  }
0x9a: {  	_ =	strace s3  }
0x9b: {  	s3 =	sld [smem:$0x3FFD];
	_ =	sdelay $0x3  }
0x9c: {  	_ =	strace s3  }
0x9d: {  	_ =	strace $0x8FFFFFFF  }
0x9e: {  	s18 =	sld [smem:$0x3FDB];
	_ =	sdelay $0x1  }
0x9f: {  	s19 =	simm.s32 $_scs_section_size  }
0xa0: {  	s5 =	simm.s32 $_size__tile_overlayer_lowered;
	s6 =	simm.s32 $_tile_overlayer_lowered  }
0xa1: {  	s22 =	simm.s32 $0x1BFF;
	s21 =	sshll.u32 s6, $0x1;
	s3 =	sadd.s32 s19, s18  }
0xa2: {  	s7 =	simm.s32 $0x0;
	s20 =	sshll.u32 s5, $0x1;
	s5 =	sadd.s32 s21, s3  }
0xa3: {  	[timem:s7], [sflag:s22] =	dma.local [hbm:s5], s20  }
0xa4: {  	_ =	swait.ge [sflag:s22], s20  }
0xa5: {  	s4 =	ssub.s32 $0x0, s20;
	[sflag:s22] =	ssyncset.done $0x0  }
0xa6: {  	[sflag:s22] =	ssyncadd.s32 s4;
	_ =	sdelay $0x1  }
0xa7: {  	s23 =	simm.s32 $0x1B8B  }
0xa8: {  	_ =	swait.ge [sflag:s23], $0x1  }
0xa9: {  	[sflag:s23] =	ssyncset.done $0x0  }
0xaa: {  	s25 =	simm.s32 $0x1B8E;
	s24 =	sld [smem:$0x3FFE];
	[sflag:s23] =	ssyncadd.s32 $0xFFFFFFFF  }
0xab: {  	s26 =	simm.s32 $execute0_lowered;
	[smem:$0x3FD2] =	sst s25  }
0xac: {  	s5 =	sshll.u32 s26, $0x1;
	_ =	strace $0x80000049;
	[dreg:$0x1] =	wrdreg $0xFFFFFFFF  }
0xad: {  	s28 =	simm.s32 $_size_execute0_lowered;
	s3 =	sadd.s32 s3, s5;
	[dreg:$0x0] =	wrdreg $0x0  }
0xae: {  	s5 =	sshll.u32 s28, $0x1;
	[dreg:$0x2] =	wrdreg s3  }
0xaf: {  	[dreg:$0x3] =	wrdreg s5  }
0xb0: {  	[dreg:$0x4] =	wrdreg $0xC0  }
0xb1: {  	_ =	task [dreg:s7], $0x5FFFF  }
0xb2: {  	[dreg:$0x1] =	wrdreg $0xFFFFFFFF  }
0xb3: {  	[dreg:$0x0] =	wrdreg $0x60  }
0xb4: {  	[dreg:$0x2] =	wrdreg s24  }
0xb5: {  	[dreg:$0x3] =	wrdreg s16  }
0xb6: {  	[dreg:$0x4] =	wrdreg $0x9  }
0xb7: {  	_ =	task.clear_ibuf [dreg:s7], $0x5FFFF;
	_ =	strace $0x90000049  }
0xb8: {  	s29 =	simm.s32 $0x9;
	_ =	strace $0x8000004B  }
0xb9: {  	_ =	swait.ge [sflag:s29], $0x1  }
0xba: {  	[sflag:s29] =	ssyncadd.s32 $0xFFFFFFFF  }
0xbb: {  	_ =	strace $0x9000004B  }
0xbc: {  	_ =	sfence  }
0xbd: {  	s30 =	sld [smem:$0x0];
	_ =	sdelay $0x2  }
0xbe: {  	s31 =	sshll.u32 s1, $0xD;
	s1 =	sshrl.u32 s1, $0x2  }
0xbf: {  	s3 =	sand.u32 $0x4000, s31;
	s1 =	sadd.s32 s1, s30  }
0xc0: {  	s0 =	sor.u32 s3, s0;
	s1 =	sshll.u32 s1, $0x11  }
0xc1: {  	s0 =	sor.u32 s1, s0  }
0xc2: {  	s0 =	sadd.s32 $0x8F2B, s0  }
0xc3: {  	[sflag:s0] =	ssyncadd.remote.s32 $0x1  }
0xc4: {  	_ =	sfence.sel $0xFFFF  }
0xc5: {  	[dreg:$0x0] =	wrdreg $0xFFFFFFFF;
	(pc) =	sbr.abs _section_cstart, $3  }
0xc6: {  	[dreg:$0x1] =	wrdreg $0xFFFFFFFF  }
0xc7: {  	_ =	task.clear_ibuf [dreg:s7], $0x2FFFF;
	_ =	strace $0x9FFFFFFF  }
0xc8: {  	(tm) =	ssettm $0x7FFFFFFF  }
0xc9: {  	_ =	shalt  }
tec
execute0_lowered:
.L_overlay_start_1:
0x0: {  	(tag) =	ssettag $0x1  }
0x1: {  	s0 =	rddreg [dreg:$0x0]  }
0x2: {  	s5 =	rddreg [dreg:$0x1]  }
0x3: {  	s1 =	simm.s32 $0x0;
	s4 =	srdreg.scid;
	s2 =	stileid.u32  }
0x4: {  	s23 =	simm.s32 $0x80;
	s24 =	simm.s32 $0x900;
	s25 =	simm.s32 $0x1100  }
0x5: {  	s26 =	simm.s32 $0x1900;
	s11 =	simm.s32 $0x3100;
	s12 =	simm.s32 $0x3900  }
0x6: {  	s13 =	simm.s32 $0x4100;
	s14 =	simm.s32 $0x4900;
	s15 =	simm.s32 $0x5100  }
0x7: {  	s16 =	simm.s32 $0x5900;
	s17 =	simm.s32 $0x6100;
	s18 =	simm.s32 $0x6900  }
0x8: {  	s28 =	simm.s32 $0xB100;
	s29 =	simm.s32 $0xB900;
	s30 =	simm.s32 $0x1  }
0x9: {  	s31 =	simm.s32 $0x2;
	[smem:$0x7FF] =	sst s1;
	s3 =	sadd.s32 $0x1C00, s0  }
0xa: {  	s4 =	sand.u32 $0x1, s4;
	_ =	strace $0x8000004A;
	[dreg:$0x7] =	wrdreg s23  }
0xb: {  	s7 =	sshll.u32 s2, $0x4;
	s8 =	sadd.s32 $0x1A00, s0;
	[dreg:$0x8] =	wrdreg s24  }
0xc: {  	s6 =	ssub.s32 $0x2, s4;
	s4 =	sshll.u32 s4, $0x3;
	[dreg:$0x9] =	wrdreg s25  }
0xd: {  	[dreg:$0xa] =	wrdreg s26;
	s23 =	simm.s32 $0x9100;
	s24 =	simm.s32 $0x9900  }
0xe: {  	s25 =	simm.s32 $0xA100;
	s26 =	simm.s32 $0xA900;
	s4 =	sor.u32 s4, s7  }
0xf: {  	s9 =	sshrl.u32 s6, $0x1;
	s7 =	sadd.s32 s8, s4;
	s10 =	sor.u32 $0x4, s4  }
0x10: {  	s4 =	smul.u32 $0x300, s4;
	s6 =	ssub.s32 s6, s9;
	[dreg:$0x3] =	wrdreg s7  }
0x11: {  	s19 =	sadd.s32 s8, s10;
	s20 =	smul.u32 $0x300, s10;
	s6 =	smax.u32 s6, $0x1  }
0x12: {  	s7 =	simm.s32 $0x4;
	s8 =	simm.s32 $0x100;
	s10 =	simm.s32 $0x2900  }
0x13: {  	[dreg:$0x4] =	wrdreg s19;
	s21 =	sadd.s32 s5, s4;
	s4 =	sadd.s32 $0x1D00, s0  }
0x14: {  	v2 =	vlaneseq.u32;
	s19 =	simm.s32 $0x7100;
	[dreg:$0x5] =	wrdreg s21;
	s22 =	sadd.s32 s5, s20  }
0x15: {  	vm0 =	vmmov $0xffff;
	v1 =	vshrl.u32 v2, $0x3;
	s5 =	sadd.s32 $0x1E00, s0;
	s20 =	simm.s32 $0x7900;
	s21 =	simm.s32 $0x8100  }
0x16: {  	v0 =	vand.u32 $0x7, v2;
	v2 =	vor.u32 $0x8, v2;
	v1 =	vmul.u32 $0x8, v1;
	s0 =	simm.s32 $0x3;
	[dreg:$0x6] =	wrdreg s22;
	s22 =	simm.s32 $0x8900  }
.LBB2_1:
0x17: {  	s2 =	rddreg [dreg:$0x3]  }
0x18: {  	[tilespmem:s1], [sflag:$0x4] =	stream.linear.gather [hbm4b:s2+s1], $0x20, $0x38;
	[tilespmem:$0xC100] =	vst v63  }
0x19: {  	_ =	swait.ge [sflag:s7], $0x20  }
0x1a: {  	s2 =	rddreg [dreg:$0x4];
	[sflag:s7] =	ssyncset.done $0x0  }
0x1b: {  	s9 =	rddreg [dreg:$0x7];
	[sflag:s7] =	ssyncadd.s32 $0xFFFFFFE0  }
0x1c: {  	[tilespmem:s9], [sflag:$0x4] =	stream.linear.gather [hbm4b:s2+s1], $0x20, $0x38;
	[tilespmem:$0xC100] =	vst v63  }
0x1d: {  	_ =	swait.ge [sflag:s7], $0x20  }
0x1e: {  	[sflag:s7] =	ssyncset.done $0x0  }
0x1f: {  	[sflag:s7] =	ssyncadd.s32 $0xFFFFFFE0  }
0x20: {  	v3 =	vld [tilespmem:$0x0];
	_ =	sdelay $0x4  }
0x21: {  	v4 =	vshrl.u32 v3, $0x3  }
0x22: {  	v4 =	vmul.u32 $0x30, v4  }
0x23: {  	v3 =	vand.u32 $0x7, v3  }
0x24: {  	v3 =	vor.u32 v3, v4  }
0x25: {  	v4 =	vperm.xlane v3, v0;
	_ =	sdelay $0x1  }
0x26: {  	v4 =	vadd.s32 v1, v4;
	_ =	sdelay $0x3  }
0x27: {  	v3 =	vperm.xlane v3, v2  }
0x28: {  	[tilespmem:s8], [sflag:$0x1] =	stream.indirect_vreg.gather [hbm4b:s3+s1], $0x80, v4, vm0, $0xb8;
	[tilespmem:$0xC100] =	vst v63  }
0x29: {  	s2 =	rddreg [dreg:$0x8];
	v3 =	vadd.s32 v1, v3  }
0x2a: {  	[tilespmem:s2], [sflag:$0x1] =	stream.indirect_vreg.gather [hbm4b:s4+s1], $0x80, v4, vm0, $0xb8;
	[tilespmem:$0xC100] =	vst v63  }
0x2b: {  	s9 =	rddreg [dreg:$0x9]  }
0x2c: {  	[tilespmem:s9], [sflag:$0x1] =	stream.indirect_vreg.gather [hbm4b:s5+s1], $0x80, v4, vm0, $0xb8;
	[tilespmem:$0xC100] =	vst v63  }
0x2d: {  	s2 =	rddreg [dreg:$0xa]  }
0x2e: {  	[tilespmem:s2], [sflag:$0x1] =	stream.indirect_vreg.gather [hbm4b:s3+s1], $0x80, v3, vm0, $0xb8;
	[tilespmem:$0xC100] =	vst v63  }
0x2f: {  	s9 =	simm.s32 $0x2100  }
0x30: {  	[tilespmem:s9], [sflag:$0x1] =	stream.indirect_vreg.gather [hbm4b:s4+s1], $0x80, v3, vm0, $0xb8;
	[tilespmem:$0xC100] =	vst v63  }
0x31: {  	_ = 	snop  }
0x32: {  	[tilespmem:s10], [sflag:$0x1] =	stream.indirect_vreg.gather [hbm4b:s5+s1], $0x80, v3, vm0, $0xb8;
	[tilespmem:$0xC100] =	vst v63  }
0x33: {  	v3 =	vld [tilespmem:$0x10];
	_ =	sdelay $0x4  }
0x34: {  	v61 =	vshrl.u32 v3, $0x3  }
0x35: {  	v4 =	vmul.u32 $0x30, v61  }
0x36: {  	v3 =	vand.u32 $0x7, v3  }
0x37: {  	v3 =	vor.u32 v3, v4  }
0x38: {  	v4 =	vperm.xlane v3, v0;
	_ =	sdelay $0x1  }
0x39: {  	v4 =	vadd.s32 v1, v4;
	_ =	sdelay $0x3  }
0x3a: {  	v3 =	vperm.xlane v3, v2  }
0x3b: {  	[tilespmem:s11], [sflag:$0x1] =	stream.indirect_vreg.gather [hbm4b:s3+s1], $0x80, v4, vm0, $0xb8;
	[tilespmem:$0xC100] =	vst v63  }
0x3c: {  	v3 =	vadd.s32 v1, v3  }
0x3d: {  	[tilespmem:s12], [sflag:$0x1] =	stream.indirect_vreg.gather [hbm4b:s4+s1], $0x80, v4, vm0, $0xb8;
	[tilespmem:$0xC100] =	vst v63  }
0x3e: {  	_ = 	snop  }
0x3f: {  	[tilespmem:s13], [sflag:$0x1] =	stream.indirect_vreg.gather [hbm4b:s5+s1], $0x80, v4, vm0, $0xb8;
	[tilespmem:$0xC100] =	vst v63  }
0x40: {  	_ = 	snop  }
0x41: {  	[tilespmem:s14], [sflag:$0x1] =	stream.indirect_vreg.gather [hbm4b:s3+s1], $0x80, v3, vm0, $0xb8;
	[tilespmem:$0xC100] =	vst v63  }
0x42: {  	_ = 	snop  }
0x43: {  	[tilespmem:s15], [sflag:$0x1] =	stream.indirect_vreg.gather [hbm4b:s4+s1], $0x80, v3, vm0, $0xb8;
	[tilespmem:$0xC100] =	vst v63  }
0x44: {  	_ = 	snop  }
0x45: {  	[tilespmem:s16], [sflag:$0x1] =	stream.indirect_vreg.gather [hbm4b:s5+s1], $0x80, v3, vm0, $0xb8;
	[tilespmem:$0xC100] =	vst v63  }
0x46: {  	v3 =	vld [tilespmem:$0x80];
	_ =	sdelay $0x4  }
0x47: {  	v62 =	vshrl.u32 v3, $0x3  }
0x48: {  	v4 =	vmul.u32 $0x30, v62  }
0x49: {  	v3 =	vand.u32 $0x7, v3  }
0x4a: {  	v3 =	vor.u32 v3, v4  }
0x4b: {  	v4 =	vperm.xlane v3, v0;
	_ =	sdelay $0x1  }
0x4c: {  	v4 =	vadd.s32 v1, v4;
	_ =	sdelay $0x3  }
0x4d: {  	v3 =	vperm.xlane v3, v2  }
0x4e: {  	[tilespmem:s17], [sflag:$0x2] =	stream.indirect_vreg.gather [hbm4b:s3+s1], $0x80, v4, vm0, $0xb8;
	[tilespmem:$0xC100] =	vst v63  }
0x4f: {  	v3 =	vadd.s32 v1, v3  }
0x50: {  	[tilespmem:s18], [sflag:$0x2] =	stream.indirect_vreg.gather [hbm4b:s4+s1], $0x80, v4, vm0, $0xb8;
	[tilespmem:$0xC100] =	vst v63  }
0x51: {  	_ = 	snop  }
0x52: {  	[tilespmem:s19], [sflag:$0x2] =	stream.indirect_vreg.gather [hbm4b:s5+s1], $0x80, v4, vm0, $0xb8;
	[tilespmem:$0xC100] =	vst v63  }
0x53: {  	_ = 	snop  }
0x54: {  	[tilespmem:s20], [sflag:$0x2] =	stream.indirect_vreg.gather [hbm4b:s3+s1], $0x80, v3, vm0, $0xb8;
	[tilespmem:$0xC100] =	vst v63  }
0x55: {  	_ = 	snop  }
0x56: {  	[tilespmem:s21], [sflag:$0x2] =	stream.indirect_vreg.gather [hbm4b:s4+s1], $0x80, v3, vm0, $0xb8;
	[tilespmem:$0xC100] =	vst v63  }
0x57: {  	_ = 	snop  }
0x58: {  	[tilespmem:s22], [sflag:$0x2] =	stream.indirect_vreg.gather [hbm4b:s5+s1], $0x80, v3, vm0, $0xb8;
	[tilespmem:$0xC100] =	vst v63  }
0x59: {  	v3 =	vld [tilespmem:$0x90];
	_ =	sdelay $0x4  }
0x5a: {  	v63 =	vshrl.u32 v3, $0x3  }
0x5b: {  	v4 =	vmul.u32 $0x30, v63  }
0x5c: {  	v3 =	vand.u32 $0x7, v3  }
0x5d: {  	v3 =	vor.u32 v3, v4  }
0x5e: {  	v4 =	vperm.xlane v3, v0;
	_ =	sdelay $0x1  }
0x5f: {  	v4 =	vadd.s32 v1, v4;
	_ =	sdelay $0x3  }
0x60: {  	v3 =	vperm.xlane v3, v2  }
0x61: {  	[tilespmem:s23], [sflag:$0x2] =	stream.indirect_vreg.gather [hbm4b:s3+s1], $0x80, v4, vm0, $0xb8;
	[tilespmem:$0xC100] =	vst v63  }
0x62: {  	v3 =	vadd.s32 v1, v3  }
0x63: {  	[tilespmem:s24], [sflag:$0x2] =	stream.indirect_vreg.gather [hbm4b:s4+s1], $0x80, v4, vm0, $0xb8;
	[tilespmem:$0xC100] =	vst v63  }
0x64: {  	_ = 	snop  }
0x65: {  	[tilespmem:s25], [sflag:$0x2] =	stream.indirect_vreg.gather [hbm4b:s5+s1], $0x80, v4, vm0, $0xb8;
	[tilespmem:$0xC100] =	vst v63  }
0x66: {  	_ = 	snop  }
0x67: {  	[tilespmem:s26], [sflag:$0x2] =	stream.indirect_vreg.gather [hbm4b:s3+s1], $0x80, v3, vm0, $0xb8;
	[tilespmem:$0xC100] =	vst v63  }
0x68: {  	_ = 	snop  }
0x69: {  	[tilespmem:s28], [sflag:$0x2] =	stream.indirect_vreg.gather [hbm4b:s4+s1], $0x80, v3, vm0, $0xb8;
	[tilespmem:$0xC100] =	vst v63  }
0x6a: {  	_ = 	snop  }
0x6b: {  	[tilespmem:s29], [sflag:$0x2] =	stream.indirect_vreg.gather [hbm4b:s5+s1], $0x80, v3, vm0, $0xb8;
	[tilespmem:$0xC100] =	vst v63  }
0x6c: {  	_ =	swait.ge [sflag:s30], $0x6000  }
0x6d: {  	[sflag:s30] =	ssyncset.done $0x0  }
0x6e: {  	s9 =	rddreg [dreg:$0x5];
	[sflag:s30] =	ssyncadd.s32 $0xFFFFA000  }
0x6f: {  	[hbm4b:s9+s1] =	stream.linear.scatter [tilespmem:s8], [sflag:$0x3], $0x6000, $0x38;
	[tilespmem:$0xC100] =	vst v63  }
0x70: {  	_ =	swait.ge [sflag:s31], $0x6000  }
0x71: {  	[sflag:s31] =	ssyncset.done $0x0  }
0x72: {  	s9 =	rddreg [dreg:$0x6];
	[sflag:s31] =	ssyncadd.s32 $0xFFFFA000  }
0x73: {  	[hbm4b:s9+s1] =	stream.linear.scatter [tilespmem:s17], [sflag:$0x1], $0x6000, $0x38;
	[tilespmem:$0xC100] =	vst v63  }
0x74: {  	p0 =	sne.s32 s6, $0x1;
	_ =	swait.ge [sflag:s0], $0x6000  }
.Ltmp0:
0x75: {  	[sflag:s0] =	ssyncset.done $0x0;
	(pc) =	sbr.rel @p0 .LBB2_1-.Ltmp0, $4  }
0x76: {  	[sflag:s0] =	ssyncadd.s32 $0xFFFFA000  }
0x77: {  	_ =	swait.ge [sflag:s30], $0x6000  }
0x78: {  	[sflag:s30] =	ssyncset.done $0x0  }
0x79: {  	s6 =	sadd.s32 $0xFFFFFFFF, s6;
	[sflag:s30] =	ssyncadd.s32 $0xFFFFA000  }
0x7a: {  	_ =	sfence.sel $0x180000  }
0x7b: {  	[bflag:$0x0] =	sbarrier.arrive $0xFFFF  }
0x7c: {  	_ =	strace $0x9000004A  }
0x7d: {  	s0 =	stileid.u32;
	[bflag:$0x2] =	sbarrier.arrive $0xFFFF  }
0x7e: {  	p0 =	sne.s32 s0, $0x0;
	s0 =	rddreg [dreg:$0x2]  }
0x7f: {  	s0 =	sadd.s32 @!p0 $0x100000, s0  }
0x80: {  	[sflag:s0] =	ssyncadd.tile.s32 @!p0 $0x1;
	_ =	shalt  }
.Lfunc_end2:
_tile_overlayer_lowered:
.L_overlay_start_2:
0x81: {  	(tag) =	ssettag $0x2  }
0x82: {  	s0 =	rddreg [dreg:$0x0];
	s2 =	stileid.u32  }
0x83: {  	s1 =	rddreg [dreg:$0x1];
	p0 =	sne.s32 s2, $0x0  }
0x84: {  	s3 =	rddreg [dreg:$0x2];
	[bflag:$0x3] =	sbarrier.arrive $0xFFFF;
	s2 =	simm.s32 @!p0 $0x1C04  }
0x85: {  	[timem:s3], [sflag:s2] =	dma.local @!p0 [hbm:s0], s1  }
0x86: {  	s0 =	simm.s32 @!p0 $0x4  }
0x87: {  	_ =	swait.ge @!p0 [sflag:s0], s1  }
0x88: {  	s1 =	ssub.s32 @!p0 $0x0, s1;
	[sflag:s0] =	ssyncset.done @!p0 $0x0  }
0x89: {  	[sflag:s0] =	ssyncadd.s32 @!p0 s1  }
0x8a: {  	[bflag:$0x3] =	sbarrier.arrive $0xFFFF  }
0x8b: {  	_ =	shalt  }

</sc_bundles>
